<compile_context>
chip_gen: v7x
topology: tpu7x:2x2x1
jax: 0.10.2.dev20260603
libtpu: 0.0.44.dev20260713+nightly
codegen_flags: <defaults>
</compile_context>

<pallas_src>
import functools

import jax
import jax.numpy as jnp
from jax import lax
from jax.experimental import pallas as pl
from jax.experimental.pallas import tpu as pltpu
from jax.experimental.pallas import tpu_sc as plsc

_N_FIELDS = 26
_VOCAB = 100000
_EDIM = 8
_BATCH = 16384

_INFO = plsc.get_sparse_core_info()
_NC = _INFO.num_cores
_NS = _INFO.num_subcores
_NW = _NC * _NS
_L = _INFO.num_lanes

_TASKS = _N_FIELDS * _EDIM
_HALF = _BATCH // 2


def _run_task(refs, t, halves, out_cps):
    table_hbm, idx_hbm, out_hbm, slice_v, idx_v, outs, sem_s, sems_o = refs
    f = t // _EDIM
    d = t % _EDIM
    slice_cp = pltpu.async_copy(table_hbm.at[f, d], slice_v, sem_s)
    first = True
    for h in halves:
        b = h if len(halves) == 2 else 0
        pltpu.sync_copy(idx_hbm.at[f, pl.ds(h * _HALF, _HALF)], idx_v)
        if first:
            slice_cp.wait()
            first = False
        if out_cps[b] is not None:
            out_cps[b].wait()
        out_v = outs[b]

        @plsc.parallel_loop(0, _HALF // _L, 1, unroll=8)
        def gather(i):
            sl = pl.ds(i * _L, _L)
            out_v[sl] = plsc.load_gather(slice_v, [idx_v[sl]])

        out_cps[b] = pltpu.async_copy(
            out_v, out_hbm.at[t, pl.ds(h * _HALF, _HALF)], sems_o[b]
        )


def _body(table_hbm, idx_hbm, out_hbm, slice_v, idx_v, out0_v, out1_v,
          sem_s, sem_o0, sem_o1):
    wid = lax.axis_index("s") * _NC + lax.axis_index("c")
    refs = (table_hbm, idx_hbm, out_hbm, slice_v, idx_v,
            (out0_v, out1_v), sem_s, (sem_o0, sem_o1))
    out_cps = [None, None]

    for q in range(6):
        _run_task(refs, q * _NW + wid, (0, 1), out_cps)
    _run_task(refs, 6 * _NW + lax.rem(wid, 16), (lax.div(wid, 16),), out_cps)
    for cp in out_cps:
        if cp is not None:
            cp.wait()


@functools.partial(
    pl.kernel,
    mesh=plsc.VectorSubcoreMesh(core_axis_name="c", subcore_axis_name="s"),
    out_type=jax.ShapeDtypeStruct((_N_FIELDS * _EDIM, _BATCH), jnp.float32),
    scratch_types=[
        pltpu.VMEM((_VOCAB,), jnp.float32),
        pltpu.VMEM((_HALF,), jnp.int32),
        pltpu.VMEM((_HALF,), jnp.float32),
        pltpu.VMEM((_HALF,), jnp.float32),
        pltpu.SemaphoreType.DMA,
        pltpu.SemaphoreType.DMA,
        pltpu.SemaphoreType.DMA,
    ],
    compiler_params=pltpu.CompilerParams(
        use_tc_tiling_on_sc=True, needs_layout_passes=False
    ),
)
def _sc_gather(table_hbm, idx_hbm, out_hbm, slice_v, idx_v, out0_v, out1_v,
               sem_s, sem_o0, sem_o1):
    _body(table_hbm, idx_hbm, out_hbm, slice_v, idx_v, out0_v, out1_v,
          sem_s, sem_o0, sem_o1)


def kernel(inputs, tables):
    table_t = jnp.transpose(tables, (0, 2, 1))
    idx_t = inputs.T
    out_t = _sc_gather(table_t, idx_t)
    return out_t.T

# --- scband reference (transcript-rebuilt; emitter-appended) ---
"""Pipeline reference for scband-sparse-input-72928544686104 (READ-ONLY COPY).

The authoritative reference and input builder live on the scoring server;
editing this copy changes nothing except your own understanding.
"""

import jax, jax.numpy as jnp
import numpy as np

N_FIELDS = 26
VOCAB = 100000
EDIM = 8
BATCH = 16384


def setup_inputs(seed: int = 0) -> dict:
    key = jax.random.key(seed)
    k1, k2 = jax.random.split(key)
    inputs = jax.random.randint(k1, (BATCH, N_FIELDS), 0, VOCAB, dtype=jnp.int32)
    # 26 embedding tables, each [VOCAB, 8], stacked into one tensor [26, VOCAB, 8]
    tables = jax.random.normal(k2, (N_FIELDS, VOCAB, EDIM), dtype=jnp.float32) * 0.05
    return {"inputs": inputs, "tables": tables}


def reference(inputs, tables):
    # Faithful translation of SparseInput.call: per-field embedding lookup then concat
    embeddings = []
    for i in range(N_FIELDS):
        embeddings.append(jnp.take(tables[i], inputs[:, i], axis=0))
    sparse_inputs = jnp.concatenate(embeddings, axis=1)  # [BATCH, N_FIELDS * EDIM]
    return sparse_inputs

if __name__ == "__main__":
    import jax
    _d = setup_inputs()
    print(jax.jit(kernel)(*tuple(_d.values())))

</pallas_src>

<mosaic_0001>
#map = affine_map<(d0, d1) -> (0, 0, 0)>
#map1 = affine_map<(d0, d1) -> (0, 0)>
module attributes {stable_mosaic.version = 14 : i64} {
  func.func @_sc_gather(%arg0: i32, %arg1: i32, %arg2: memref<26x8x100000xf32, #tpu.memory_space<hbm>>, %arg3: memref<26x16384xi32, #tpu.memory_space<hbm>>, %arg4: memref<208x16384xf32, #tpu.memory_space<hbm>>, %arg5: memref<100000xf32, #tpu.memory_space<vmem>>, %arg6: memref<8192xi32, #tpu.memory_space<vmem>>, %arg7: memref<8192xf32, #tpu.memory_space<vmem>>, %arg8: memref<8192xf32, #tpu.memory_space<vmem>>, %arg9: memref<!tpu.dma_semaphore, #tpu.memory_space<semaphore_mem>>, %arg10: memref<!tpu.dma_semaphore, #tpu.memory_space<semaphore_mem>>, %arg11: memref<!tpu.dma_semaphore, #tpu.memory_space<semaphore_mem>>) attributes {dimension_semantics = [#tpu.dimension_semantics<core_parallel>, #tpu.dimension_semantics<subcore_parallel>], iteration_bounds = array<i64: 2, 16>, scalar_prefetch = 0 : i64, scratch_operands = 7 : i64, tpu.core_type = #tpu.core_type<sc_vector_subcore>, window_params = [{transform_indices = #map}, {transform_indices = #map1}, {transform_indices = #map1}]} {
    %mul3A = arith.constant 2 : i32
    %mul3A_0 = arith.muli %arg1, %mul3A : i32
    %add3A = arith.addi %mul3A_0, %arg0 : i32
    %add3A_1 = arith.constant 0 : i32
    %add3A_2 = arith.addi %add3A_1, %add3A : i32
    %jit3A = arith.constant 8 : i32
    %div3A = arith.divsi %add3A_2, %jit3A : i32
    %sign3A = arith.constant 0 : i32
    %sign3A_3 = arith.cmpi sgt, %add3A_2, %sign3A : i32
    %sign3A_4 = arith.extui %sign3A_3 : i1 to i32
    %sign3A_5 = arith.constant 0 : i32
    %sign3A_6 = arith.cmpi slt, %add3A_2, %sign3A_5 : i32
    %sign3A_7 = arith.extui %sign3A_6 : i1 to i32
    %sign3A_8 = arith.subi %sign3A_4, %sign3A_7 : i32
    %sign3A_9 = arith.constant 0 : i32
    %sign3A_10 = arith.cmpi sgt, %jit3A, %sign3A_9 : i32
    %sign3A_11 = arith.extui %sign3A_10 : i1 to i32
    %sign3A_12 = arith.constant 0 : i32
    %sign3A_13 = arith.cmpi slt, %jit3A, %sign3A_12 : i32
    %sign3A_14 = arith.extui %sign3A_13 : i1 to i32
    %sign3A_15 = arith.subi %sign3A_11, %sign3A_14 : i32
    %ne3A = arith.cmpi ne, %sign3A_8, %sign3A_15 : i32
    %rem3A = arith.remsi %add3A_2, %jit3A : i32
    %ne3A_16 = arith.constant 0 : i32
    %ne3A_17 = arith.cmpi ne, %rem3A, %ne3A_16 : i32
    %and3A = arith.andi %ne3A, %ne3A_17 : i1
    %sub3A = arith.constant 1 : i32
    %sub3A_18 = arith.subi %div3A, %sub3A : i32
    %select_n3A = arith.select %and3A, %sub3A_18, %div3A : i32
    %jit3A_19 = arith.constant 8 : i32
    %eq3A = arith.constant 0 : i32
    %eq3A_20 = arith.cmpi eq, %jit3A_19, %eq3A : i32
    %jit3A_21 = arith.constant 1 : i32
    %select_n3A_22 = arith.select %eq3A_20, %jit3A_21, %jit3A_19 : i32
    %rem3A_23 = arith.remsi %add3A_2, %select_n3A_22 : i32
    %ne3A_24 = arith.constant 0 : i32
    %ne3A_25 = arith.cmpi ne, %rem3A_23, %ne3A_24 : i32
    %lt3A = arith.constant 0 : i32
    %lt3A_26 = arith.cmpi slt, %rem3A_23, %lt3A : i32
    %lt3A_27 = arith.constant 0 : i32
    %lt3A_28 = arith.cmpi slt, %select_n3A_22, %lt3A_27 : i32
    %ne3A_29 = arith.xori %lt3A_26, %lt3A_28 : i1
    %and3A_30 = arith.andi %ne3A_29, %ne3A_25 : i1
    %add3A_31 = arith.addi %rem3A_23, %select_n3A_22 : i32
    %select_n3A_32 = arith.select %and3A_30, %add3A_31, %rem3A_23 : i32
    %dma_start3A = arith.constant 0 : i32
    %dma_start3A_33 = tpu.memref_slice %arg2[%select_n3A, %select_n3A_32, %dma_start3A] : memref<26x8x100000xf32, #tpu.memory_space<hbm>> -> memref<1x1x100000xf32, #tpu.memory_space<hbm>>
    %dma_start3A_34 = tpu.memref_squeeze %dma_start3A_33 : memref<1x1x100000xf32, #tpu.memory_space<hbm>> -> memref<100000xf32, #tpu.memory_space<hbm>>
    %dma_start3A_35 = arith.constant 0 : i32
    %dma_start3A_36 = tpu.memref_slice %arg2[%select_n3A, %select_n3A_32, %dma_start3A_35] : memref<26x8x100000xf32, #tpu.memory_space<hbm>> -> memref<1x1x100000xf32, #tpu.memory_space<hbm>>
    %dma_start3A_37 = tpu.memref_squeeze %dma_start3A_36 : memref<1x1x100000xf32, #tpu.memory_space<hbm>> -> memref<100000xf32, #tpu.memory_space<hbm>>
    tpu.enqueue_dma source(%dma_start3A_37 : memref<100000xf32, #tpu.memory_space<hbm>>) target(%arg5 : memref<100000xf32, #tpu.memory_space<vmem>>) target_semaphore(%arg9 : memref<!tpu.dma_semaphore, #tpu.memory_space<semaphore_mem>>)
    "tpu.region"() ({
      %run_scoped3A = tpu.sem_alloc : memref<!tpu.dma_semaphore, #tpu.memory_space<semaphore_mem>>
      %dma_start3A_565 = arith.constant 0 : i32
      %dma_start3A_566 = tpu.memref_slice %arg3[%select_n3A, %dma_start3A_565] : memref<26x16384xi32, #tpu.memory_space<hbm>> -> memref<1x8192xi32, #tpu.memory_space<hbm>>
      %dma_start3A_567 = tpu.memref_squeeze %dma_start3A_566 : memref<1x8192xi32, #tpu.memory_space<hbm>> -> memref<8192xi32, #tpu.memory_space<hbm>>
      %dma_start3A_568 = arith.constant 0 : i32
      %dma_start3A_569 = tpu.memref_slice %arg3[%select_n3A, %dma_start3A_568] : memref<26x16384xi32, #tpu.memory_space<hbm>> -> memref<1x8192xi32, #tpu.memory_space<hbm>>
      %dma_start3A_570 = tpu.memref_squeeze %dma_start3A_569 : memref<1x8192xi32, #tpu.memory_space<hbm>> -> memref<8192xi32, #tpu.memory_space<hbm>>
      tpu.enqueue_dma source(%dma_start3A_570 : memref<8192xi32, #tpu.memory_space<hbm>>) target(%arg6 : memref<8192xi32, #tpu.memory_space<vmem>>) target_semaphore(%run_scoped3A : memref<!tpu.dma_semaphore, #tpu.memory_space<semaphore_mem>>)
      %dma_wait3A_571 = arith.constant 0 : i32
      %dma_wait3A_572 = tpu.memref_slice %arg3[%select_n3A, %dma_wait3A_571] : memref<26x16384xi32, #tpu.memory_space<hbm>> -> memref<1x8192xi32, #tpu.memory_space<hbm>>
      %dma_wait3A_573 = tpu.memref_squeeze %dma_wait3A_572 : memref<1x8192xi32, #tpu.memory_space<hbm>> -> memref<8192xi32, #tpu.memory_space<hbm>>
      %dma_wait3A_574 = arith.constant 0 : i32
      %dma_wait3A_575 = tpu.memref_slice %arg3[%select_n3A, %dma_wait3A_574] : memref<26x16384xi32, #tpu.memory_space<hbm>> -> memref<1x8192xi32, #tpu.memory_space<hbm>>
      %dma_wait3A_576 = tpu.memref_squeeze %dma_wait3A_575 : memref<1x8192xi32, #tpu.memory_space<hbm>> -> memref<8192xi32, #tpu.memory_space<hbm>>
      tpu.wait_dma2 semaphore(%run_scoped3A : memref<!tpu.dma_semaphore, #tpu.memory_space<semaphore_mem>>) src(%dma_wait3A_576 : memref<8192xi32, #tpu.memory_space<hbm>>) dst(%arg6 : memref<8192xi32, #tpu.memory_space<vmem>>)
      tpu.yield
    }) : () -> ()
    %dma_wait3A = arith.constant 0 : i32
    %dma_wait3A_38 = tpu.memref_slice %arg2[%select_n3A, %select_n3A_32, %dma_wait3A] : memref<26x8x100000xf32, #tpu.memory_space<hbm>> -> memref<1x1x100000xf32, #tpu.memory_space<hbm>>
    %dma_wait3A_39 = tpu.memref_squeeze %dma_wait3A_38 : memref<1x1x100000xf32, #tpu.memory_space<hbm>> -> memref<100000xf32, #tpu.memory_space<hbm>>
    %dma_wait3A_40 = arith.constant 0 : i32
    %dma_wait3A_41 = tpu.memref_slice %arg2[%select_n3A, %select_n3A_32, %dma_wait3A_40] : memref<26x8x100000xf32, #tpu.memory_space<hbm>> -> memref<1x1x100000xf32, #tpu.memory_space<hbm>>
    %dma_wait3A_42 = tpu.memref_squeeze %dma_wait3A_41 : memref<1x1x100000xf32, #tpu.memory_space<hbm>> -> memref<100000xf32, #tpu.memory_space<hbm>>
    tpu.wait_dma2 semaphore(%arg9 : memref<!tpu.dma_semaphore, #tpu.memory_space<semaphore_mem>>) src(%dma_wait3A_42 : memref<100000xf32, #tpu.memory_space<hbm>>) dst(%arg5 : memref<100000xf32, #tpu.memory_space<vmem>>)
    %parallel_loop3A = arith.constant 0 : i32
    %parallel_loop3A_43 = arith.constant 512 : i32
    %parallel_loop3A_44 = arith.constant 1 : i32
    scf.for %parallel_loop3A_565 = %parallel_loop3A to %parallel_loop3A_43 step %parallel_loop3A_44  : i32 {
      %parallel_loop3A_566 = arith.constant 16 : i32
      %parallel_loop3A_567 = arith.muli %parallel_loop3A_565, %parallel_loop3A_566 : i32
      %parallel_loop3A_568 = arith.index_cast %parallel_loop3A_567 : i32 to index
      %parallel_loop3A_569 = tpu.vector_load %arg6[%parallel_loop3A_568] {strides = array<i32>} : memref<8192xi32, #tpu.memory_space<vmem>>, vector<16xi32>,
      %parallel_loop3A_570 = tpu.vector_load_idx %arg5[%parallel_loop3A_569] : memref<100000xf32, #tpu.memory_space<vmem>>[vector<16xi32>], vector<16xf32>,
      %parallel_loop3A_571 = arith.index_cast %parallel_loop3A_567 : i32 to index
      %parallel_loop3A_572 = tpu.vector_load %arg7[%parallel_loop3A_571] {strides = array<i32>} : memref<8192xf32, #tpu.memory_space<vmem>>, vector<16xf32>,
      tpu.vector_store %arg7[%parallel_loop3A_571], %parallel_loop3A_570 {strides = array<i32>} : memref<8192xf32, #tpu.memory_space<vmem>>, vector<16xf32>,
    } {sc.loop_unroll_factor = 8 : i64, sc.parallel_access}
    %dma_start3A_45 = arith.constant 0 : i32
    %dma_start3A_46 = tpu.memref_slice %arg4[%add3A_2, %dma_start3A_45] : memref<208x16384xf32, #tpu.memory_space<hbm>> -> memref<1x8192xf32, #tpu.memory_space<hbm>>
    %dma_start3A_47 = tpu.memref_squeeze %dma_start3A_46 : memref<1x8192xf32, #tpu.memory_space<hbm>> -> memref<8192xf32, #tpu.memory_space<hbm>>
    %dma_start3A_48 = arith.constant 0 : i32
    %dma_start3A_49 = tpu.memref_slice %arg4[%add3A_2, %dma_start3A_48] : memref<208x16384xf32, #tpu.memory_space<hbm>> -> memref<1x8192xf32, #tpu.memory_space<hbm>>
    %dma_start3A_50 = tpu.memref_squeeze %dma_start3A_49 : memref<1x8192xf32, #tpu.memory_space<hbm>> -> memref<8192xf32, #tpu.memory_space<hbm>>
    tpu.enqueue_dma source(%arg7 : memref<8192xf32, #tpu.memory_space<vmem>>) target(%dma_start3A_50 : memref<8192xf32, #tpu.memory_space<hbm>>) target_semaphore(%arg10 : memref<!tpu.dma_semaphore, #tpu.memory_space<semaphore_mem>>)
    "tpu.region"() ({
      %run_scoped3A = tpu.sem_alloc : memref<!tpu.dma_semaphore, #tpu.memory_space<semaphore_mem>>
      %dma_start3A_565 = arith.constant 8192 : i32
      %dma_start3A_566 = tpu.memref_slice %arg3[%select_n3A, %dma_start3A_565] : memref<26x16384xi32, #tpu.memory_space<hbm>> -> memref<1x8192xi32, #tpu.memory_space<hbm>>
      %dma_start3A_567 = tpu.memref_squeeze %dma_start3A_566 : memref<1x8192xi32, #tpu.memory_space<hbm>> -> memref<8192xi32, #tpu.memory_space<hbm>>
      %dma_start3A_568 = arith.constant 8192 : i32
      %dma_start3A_569 = tpu.memref_slice %arg3[%select_n3A, %dma_start3A_568] : memref<26x16384xi32, #tpu.memory_space<hbm>> -> memref<1x8192xi32, #tpu.memory_space<hbm>>
      %dma_start3A_570 = tpu.memref_squeeze %dma_start3A_569 : memref<1x8192xi32, #tpu.memory_space<hbm>> -> memref<8192xi32, #tpu.memory_space<hbm>>
      tpu.enqueue_dma source(%dma_start3A_570 : memref<8192xi32, #tpu.memory_space<hbm>>) target(%arg6 : memref<8192xi32, #tpu.memory_space<vmem>>) target_semaphore(%run_scoped3A : memref<!tpu.dma_semaphore, #tpu.memory_space<semaphore_mem>>)
      %dma_wait3A_571 = arith.constant 8192 : i32
      %dma_wait3A_572 = tpu.memref_slice %arg3[%select_n3A, %dma_wait3A_571] : memref<26x16384xi32, #tpu.memory_space<hbm>> -> memref<1x8192xi32, #tpu.memory_space<hbm>>
      %dma_wait3A_573 = tpu.memref_squeeze %dma_wait3A_572 : memref<1x8192xi32, #tpu.memory_space<hbm>> -> memref<8192xi32, #tpu.memory_space<hbm>>
      %dma_wait3A_574 = arith.constant 8192 : i32
      %dma_wait3A_575 = tpu.memref_slice %arg3[%select_n3A, %dma_wait3A_574] : memref<26x16384xi32, #tpu.memory_space<hbm>> -> memref<1x8192xi32, #tpu.memory_space<hbm>>
      %dma_wait3A_576 = tpu.memref_squeeze %dma_wait3A_575 : memref<1x8192xi32, #tpu.memory_space<hbm>> -> memref<8192xi32, #tpu.memory_space<hbm>>
      tpu.wait_dma2 semaphore(%run_scoped3A : memref<!tpu.dma_semaphore, #tpu.memory_space<semaphore_mem>>) src(%dma_wait3A_576 : memref<8192xi32, #tpu.memory_space<hbm>>) dst(%arg6 : memref<8192xi32, #tpu.memory_space<vmem>>)
      tpu.yield
    }) : () -> ()
    %parallel_loop3A_51 = arith.constant 0 : i32
    %parallel_loop3A_52 = arith.constant 512 : i32
    %parallel_loop3A_53 = arith.constant 1 : i32
    scf.for %parallel_loop3A_565 = %parallel_loop3A_51 to %parallel_loop3A_52 step %parallel_loop3A_53  : i32 {
      %parallel_loop3A_566 = arith.constant 16 : i32
      %parallel_loop3A_567 = arith.muli %parallel_loop3A_565, %parallel_loop3A_566 : i32
      %parallel_loop3A_568 = arith.index_cast %parallel_loop3A_567 : i32 to index
      %parallel_loop3A_569 = tpu.vector_load %arg6[%parallel_loop3A_568] {strides = array<i32>} : memref<8192xi32, #tpu.memory_space<vmem>>, vector<16xi32>,
      %parallel_loop3A_570 = tpu.vector_load_idx %arg5[%parallel_loop3A_569] : memref<100000xf32, #tpu.memory_space<vmem>>[vector<16xi32>], vector<16xf32>,
      %parallel_loop3A_571 = arith.index_cast %parallel_loop3A_567 : i32 to index
      %parallel_loop3A_572 = tpu.vector_load %arg8[%parallel_loop3A_571] {strides = array<i32>} : memref<8192xf32, #tpu.memory_space<vmem>>, vector<16xf32>,
      tpu.vector_store %arg8[%parallel_loop3A_571], %parallel_loop3A_570 {strides = array<i32>} : memref<8192xf32, #tpu.memory_space<vmem>>, vector<16xf32>,
    } {sc.loop_unroll_factor = 8 : i64, sc.parallel_access}
    %dma_start3A_54 = arith.constant 8192 : i32
    %dma_start3A_55 = tpu.memref_slice %arg4[%add3A_2, %dma_start3A_54] : memref<208x16384xf32, #tpu.memory_space<hbm>> -> memref<1x8192xf32, #tpu.memory_space<hbm>>
    %dma_start3A_56 = tpu.memref_squeeze %dma_start3A_55 : memref<1x8192xf32, #tpu.memory_space<hbm>> -> memref<8192xf32, #tpu.memory_space<hbm>>
    %dma_start3A_57 = arith.constant 8192 : i32
    %dma_start3A_58 = tpu.memref_slice %arg4[%add3A_2, %dma_start3A_57] : memref<208x16384xf32, #tpu.memory_space<hbm>> -> memref<1x8192xf32, #tpu.memory_space<hbm>>
    %dma_start3A_59 = tpu.memref_squeeze %dma_start3A_58 : memref<1x8192xf32, #tpu.memory_space<hbm>> -> memref<8192xf32, #tpu.memory_space<hbm>>
    tpu.enqueue_dma source(%arg8 : memref<8192xf32, #tpu.memory_space<vmem>>) target(%dma_start3A_59 : memref<8192xf32, #tpu.memory_space<hbm>>) target_semaphore(%arg11 : memref<!tpu.dma_semaphore, #tpu.memory_space<semaphore_mem>>)
    %add3A_60 = arith.constant 32 : i32
    %add3A_61 = arith.addi %add3A_60, %add3A : i32
    %jit3A_62 = arith.constant 8 : i32
    %div3A_63 = arith.divsi %add3A_61, %jit3A_62 : i32
    %sign3A_64 = arith.constant 0 : i32
    %sign3A_65 = arith.cmpi sgt, %add3A_61, %sign3A_64 : i32
    %sign3A_66 = arith.extui %sign3A_65 : i1 to i32
    %sign3A_67 = arith.constant 0 : i32
    %sign3A_68 = arith.cmpi slt, %add3A_61, %sign3A_67 : i32
    %sign3A_69 = arith.extui %sign3A_68 : i1 to i32
    %sign3A_70 = arith.subi %sign3A_66, %sign3A_69 : i32
    %sign3A_71 = arith.constant 0 : i32
    %sign3A_72 = arith.cmpi sgt, %jit3A_62, %sign3A_71 : i32
    %sign3A_73 = arith.extui %sign3A_72 : i1 to i32
    %sign3A_74 = arith.constant 0 : i32
    %sign3A_75 = arith.cmpi slt, %jit3A_62, %sign3A_74 : i32
    %sign3A_76 = arith.extui %sign3A_75 : i1 to i32
    %sign3A_77 = arith.subi %sign3A_73, %sign3A_76 : i32
    %ne3A_78 = arith.cmpi ne, %sign3A_70, %sign3A_77 : i32
    %rem3A_79 = arith.remsi %add3A_61, %jit3A_62 : i32
    %ne3A_80 = arith.constant 0 : i32
    %ne3A_81 = arith.cmpi ne, %rem3A_79, %ne3A_80 : i32
    %and3A_82 = arith.andi %ne3A_78, %ne3A_81 : i1
    %sub3A_83 = arith.constant 1 : i32
    %sub3A_84 = arith.subi %div3A_63, %sub3A_83 : i32
    %select_n3A_85 = arith.select %and3A_82, %sub3A_84, %div3A_63 : i32
    %jit3A_86 = arith.constant 8 : i32
    %eq3A_87 = arith.constant 0 : i32
    %eq3A_88 = arith.cmpi eq, %jit3A_86, %eq3A_87 : i32
    %jit3A_89 = arith.constant 1 : i32
    %select_n3A_90 = arith.select %eq3A_88, %jit3A_89, %jit3A_86 : i32
    %rem3A_91 = arith.remsi %add3A_61, %select_n3A_90 : i32
    %ne3A_92 = arith.constant 0 : i32
    %ne3A_93 = arith.cmpi ne, %rem3A_91, %ne3A_92 : i32
    %lt3A_94 = arith.constant 0 : i32
    %lt3A_95 = arith.cmpi slt, %rem3A_91, %lt3A_94 : i32
    %lt3A_96 = arith.constant 0 : i32
    %lt3A_97 = arith.cmpi slt, %select_n3A_90, %lt3A_96 : i32
    %ne3A_98 = arith.xori %lt3A_95, %lt3A_97 : i1
    %and3A_99 = arith.andi %ne3A_98, %ne3A_93 : i1
    %add3A_100 = arith.addi %rem3A_91, %select_n3A_90 : i32
    %select_n3A_101 = arith.select %and3A_99, %add3A_100, %rem3A_91 : i32
    %dma_start3A_102 = arith.constant 0 : i32
    %dma_start3A_103 = tpu.memref_slice %arg2[%select_n3A_85, %select_n3A_101, %dma_start3A_102] : memref<26x8x100000xf32, #tpu.memory_space<hbm>> -> memref<1x1x100000xf32, #tpu.memory_space<hbm>>
    %dma_start3A_104 = tpu.memref_squeeze %dma_start3A_103 : memref<1x1x100000xf32, #tpu.memory_space<hbm>> -> memref<100000xf32, #tpu.memory_space<hbm>>
    %dma_start3A_105 = arith.constant 0 : i32
    %dma_start3A_106 = tpu.memref_slice %arg2[%select_n3A_85, %select_n3A_101, %dma_start3A_105] : memref<26x8x100000xf32, #tpu.memory_space<hbm>> -> memref<1x1x100000xf32, #tpu.memory_space<hbm>>
    %dma_start3A_107 = tpu.memref_squeeze %dma_start3A_106 : memref<1x1x100000xf32, #tpu.memory_space<hbm>> -> memref<100000xf32, #tpu.memory_space<hbm>>
    tpu.enqueue_dma source(%dma_start3A_107 : memref<100000xf32, #tpu.memory_space<hbm>>) target(%arg5 : memref<100000xf32, #tpu.memory_space<vmem>>) target_semaphore(%arg9 : memref<!tpu.dma_semaphore, #tpu.memory_space<semaphore_mem>>)
    "tpu.region"() ({
      %run_scoped3A = tpu.sem_alloc : memref<!tpu.dma_semaphore, #tpu.memory_space<semaphore_mem>>
      %dma_start3A_565 = arith.constant 0 : i32
      %dma_start3A_566 = tpu.memref_slice %arg3[%select_n3A_85, %dma_start3A_565] : memref<26x16384xi32, #tpu.memory_space<hbm>> -> memref<1x8192xi32, #tpu.memory_space<hbm>>
      %dma_start3A_567 = tpu.memref_squeeze %dma_start3A_566 : memref<1x8192xi32, #tpu.memory_space<hbm>> -> memref<8192xi32, #tpu.memory_space<hbm>>
      %dma_start3A_568 = arith.constant 0 : i32
      %dma_start3A_569 = tpu.memref_slice %arg3[%select_n3A_85, %dma_start3A_568] : memref<26x16384xi32, #tpu.memory_space<hbm>> -> memref<1x8192xi32, #tpu.memory_space<hbm>>
      %dma_start3A_570 = tpu.memref_squeeze %dma_start3A_569 : memref<1x8192xi32, #tpu.memory_space<hbm>> -> memref<8192xi32, #tpu.memory_space<hbm>>
      tpu.enqueue_dma source(%dma_start3A_570 : memref<8192xi32, #tpu.memory_space<hbm>>) target(%arg6 : memref<8192xi32, #tpu.memory_space<vmem>>) target_semaphore(%run_scoped3A : memref<!tpu.dma_semaphore, #tpu.memory_space<semaphore_mem>>)
      %dma_wait3A_571 = arith.constant 0 : i32
      %dma_wait3A_572 = tpu.memref_slice %arg3[%select_n3A_85, %dma_wait3A_571] : memref<26x16384xi32, #tpu.memory_space<hbm>> -> memref<1x8192xi32, #tpu.memory_space<hbm>>
      %dma_wait3A_573 = tpu.memref_squeeze %dma_wait3A_572 : memref<1x8192xi32, #tpu.memory_space<hbm>> -> memref<8192xi32, #tpu.memory_space<hbm>>
      %dma_wait3A_574 = arith.constant 0 : i32
      %dma_wait3A_575 = tpu.memref_slice %arg3[%select_n3A_85, %dma_wait3A_574] : memref<26x16384xi32, #tpu.memory_space<hbm>> -> memref<1x8192xi32, #tpu.memory_space<hbm>>
      %dma_wait3A_576 = tpu.memref_squeeze %dma_wait3A_575 : memref<1x8192xi32, #tpu.memory_space<hbm>> -> memref<8192xi32, #tpu.memory_space<hbm>>
      tpu.wait_dma2 semaphore(%run_scoped3A : memref<!tpu.dma_semaphore, #tpu.memory_space<semaphore_mem>>) src(%dma_wait3A_576 : memref<8192xi32, #tpu.memory_space<hbm>>) dst(%arg6 : memref<8192xi32, #tpu.memory_space<vmem>>)
      tpu.yield
    }) : () -> ()
    %dma_wait3A_108 = arith.constant 0 : i32
    %dma_wait3A_109 = tpu.memref_slice %arg2[%select_n3A_85, %select_n3A_101, %dma_wait3A_108] : memref<26x8x100000xf32, #tpu.memory_space<hbm>> -> memref<1x1x100000xf32, #tpu.memory_space<hbm>>
    %dma_wait3A_110 = tpu.memref_squeeze %dma_wait3A_109 : memref<1x1x100000xf32, #tpu.memory_space<hbm>> -> memref<100000xf32, #tpu.memory_space<hbm>>
    %dma_wait3A_111 = arith.constant 0 : i32
    %dma_wait3A_112 = tpu.memref_slice %arg2[%select_n3A_85, %select_n3A_101, %dma_wait3A_111] : memref<26x8x100000xf32, #tpu.memory_space<hbm>> -> memref<1x1x100000xf32, #tpu.memory_space<hbm>>
    %dma_wait3A_113 = tpu.memref_squeeze %dma_wait3A_112 : memref<1x1x100000xf32, #tpu.memory_space<hbm>> -> memref<100000xf32, #tpu.memory_space<hbm>>
    tpu.wait_dma2 semaphore(%arg9 : memref<!tpu.dma_semaphore, #tpu.memory_space<semaphore_mem>>) src(%dma_wait3A_113 : memref<100000xf32, #tpu.memory_space<hbm>>) dst(%arg5 : memref<100000xf32, #tpu.memory_space<vmem>>)
    %dma_wait3A_114 = arith.constant 0 : i32
    %dma_wait3A_115 = tpu.memref_slice %arg4[%add3A_2, %dma_wait3A_114] : memref<208x16384xf32, #tpu.memory_space<hbm>> -> memref<1x8192xf32, #tpu.memory_space<hbm>>
    %dma_wait3A_116 = tpu.memref_squeeze %dma_wait3A_115 : memref<1x8192xf32, #tpu.memory_space<hbm>> -> memref<8192xf32, #tpu.memory_space<hbm>>
    %dma_wait3A_117 = arith.constant 0 : i32
    %dma_wait3A_118 = tpu.memref_slice %arg4[%add3A_2, %dma_wait3A_117] : memref<208x16384xf32, #tpu.memory_space<hbm>> -> memref<1x8192xf32, #tpu.memory_space<hbm>>
    %dma_wait3A_119 = tpu.memref_squeeze %dma_wait3A_118 : memref<1x8192xf32, #tpu.memory_space<hbm>> -> memref<8192xf32, #tpu.memory_space<hbm>>
    tpu.wait_dma2 semaphore(%arg10 : memref<!tpu.dma_semaphore, #tpu.memory_space<semaphore_mem>>) src(%arg7 : memref<8192xf32, #tpu.memory_space<vmem>>) dst(%dma_wait3A_119 : memref<8192xf32, #tpu.memory_space<hbm>>)
    %parallel_loop3A_120 = arith.constant 0 : i32
    %parallel_loop3A_121 = arith.constant 512 : i32
    %parallel_loop3A_122 = arith.constant 1 : i32
    scf.for %parallel_loop3A_565 = %parallel_loop3A_120 to %parallel_loop3A_121 step %parallel_loop3A_122  : i32 {
      %parallel_loop3A_566 = arith.constant 16 : i32
      %parallel_loop3A_567 = arith.muli %parallel_loop3A_565, %parallel_loop3A_566 : i32
      %parallel_loop3A_568 = arith.index_cast %parallel_loop3A_567 : i32 to index
      %parallel_loop3A_569 = tpu.vector_load %arg6[%parallel_loop3A_568] {strides = array<i32>} : memref<8192xi32, #tpu.memory_space<vmem>>, vector<16xi32>,
      %parallel_loop3A_570 = tpu.vector_load_idx %arg5[%parallel_loop3A_569] : memref<100000xf32, #tpu.memory_space<vmem>>[vector<16xi32>], vector<16xf32>,
      %parallel_loop3A_571 = arith.index_cast %parallel_loop3A_567 : i32 to index
      %parallel_loop3A_572 = tpu.vector_load %arg7[%parallel_loop3A_571] {strides = array<i32>} : memref<8192xf32, #tpu.memory_space<vmem>>, vector<16xf32>,
      tpu.vector_store %arg7[%parallel_loop3A_571], %parallel_loop3A_570 {strides = array<i32>} : memref<8192xf32, #tpu.memory_space<vmem>>, vector<16xf32>,
    } {sc.loop_unroll_factor = 8 : i64, sc.parallel_access}
    %dma_start3A_123 = arith.constant 0 : i32
    %dma_start3A_124 = tpu.memref_slice %arg4[%add3A_61, %dma_start3A_123] : memref<208x16384xf32, #tpu.memory_space<hbm>> -> memref<1x8192xf32, #tpu.memory_space<hbm>>
    %dma_start3A_125 = tpu.memref_squeeze %dma_start3A_124 : memref<1x8192xf32, #tpu.memory_space<hbm>> -> memref<8192xf32, #tpu.memory_space<hbm>>
    %dma_start3A_126 = arith.constant 0 : i32
    %dma_start3A_127 = tpu.memref_slice %arg4[%add3A_61, %dma_start3A_126] : memref<208x16384xf32, #tpu.memory_space<hbm>> -> memref<1x8192xf32, #tpu.memory_space<hbm>>
    %dma_start3A_128 = tpu.memref_squeeze %dma_start3A_127 : memref<1x8192xf32, #tpu.memory_space<hbm>> -> memref<8192xf32, #tpu.memory_space<hbm>>
    tpu.enqueue_dma source(%arg7 : memref<8192xf32, #tpu.memory_space<vmem>>) target(%dma_start3A_128 : memref<8192xf32, #tpu.memory_space<hbm>>) target_semaphore(%arg10 : memref<!tpu.dma_semaphore, #tpu.memory_space<semaphore_mem>>)
    "tpu.region"() ({
      %run_scoped3A = tpu.sem_alloc : memref<!tpu.dma_semaphore, #tpu.memory_space<semaphore_mem>>
      %dma_start3A_565 = arith.constant 8192 : i32
      %dma_start3A_566 = tpu.memref_slice %arg3[%select_n3A_85, %dma_start3A_565] : memref<26x16384xi32, #tpu.memory_space<hbm>> -> memref<1x8192xi32, #tpu.memory_space<hbm>>
      %dma_start3A_567 = tpu.memref_squeeze %dma_start3A_566 : memref<1x8192xi32, #tpu.memory_space<hbm>> -> memref<8192xi32, #tpu.memory_space<hbm>>
      %dma_start3A_568 = arith.constant 8192 : i32
      %dma_start3A_569 = tpu.memref_slice %arg3[%select_n3A_85, %dma_start3A_568] : memref<26x16384xi32, #tpu.memory_space<hbm>> -> memref<1x8192xi32, #tpu.memory_space<hbm>>
      %dma_start3A_570 = tpu.memref_squeeze %dma_start3A_569 : memref<1x8192xi32, #tpu.memory_space<hbm>> -> memref<8192xi32, #tpu.memory_space<hbm>>
      tpu.enqueue_dma source(%dma_start3A_570 : memref<8192xi32, #tpu.memory_space<hbm>>) target(%arg6 : memref<8192xi32, #tpu.memory_space<vmem>>) target_semaphore(%run_scoped3A : memref<!tpu.dma_semaphore, #tpu.memory_space<semaphore_mem>>)
      %dma_wait3A_571 = arith.constant 8192 : i32
      %dma_wait3A_572 = tpu.memref_slice %arg3[%select_n3A_85, %dma_wait3A_571] : memref<26x16384xi32, #tpu.memory_space<hbm>> -> memref<1x8192xi32, #tpu.memory_space<hbm>>
      %dma_wait3A_573 = tpu.memref_squeeze %dma_wait3A_572 : memref<1x8192xi32, #tpu.memory_space<hbm>> -> memref<8192xi32, #tpu.memory_space<hbm>>
      %dma_wait3A_574 = arith.constant 8192 : i32
      %dma_wait3A_575 = tpu.memref_slice %arg3[%select_n3A_85, %dma_wait3A_574] : memref<26x16384xi32, #tpu.memory_space<hbm>> -> memref<1x8192xi32, #tpu.memory_space<hbm>>
      %dma_wait3A_576 = tpu.memref_squeeze %dma_wait3A_575 : memref<1x8192xi32, #tpu.memory_space<hbm>> -> memref<8192xi32, #tpu.memory_space<hbm>>
      tpu.wait_dma2 semaphore(%run_scoped3A : memref<!tpu.dma_semaphore, #tpu.memory_space<semaphore_mem>>) src(%dma_wait3A_576 : memref<8192xi32, #tpu.memory_space<hbm>>) dst(%arg6 : memref<8192xi32, #tpu.memory_space<vmem>>)
      tpu.yield
    }) : () -> ()
    %dma_wait3A_129 = arith.constant 8192 : i32
    %dma_wait3A_130 = tpu.memref_slice %arg4[%add3A_2, %dma_wait3A_129] : memref<208x16384xf32, #tpu.memory_space<hbm>> -> memref<1x8192xf32, #tpu.memory_space<hbm>>
    %dma_wait3A_131 = tpu.memref_squeeze %dma_wait3A_130 : memref<1x8192xf32, #tpu.memory_space<hbm>> -> memref<8192xf32, #tpu.memory_space<hbm>>
    %dma_wait3A_132 = arith.constant 8192 : i32
    %dma_wait3A_133 = tpu.memref_slice %arg4[%add3A_2, %dma_wait3A_132] : memref<208x16384xf32, #tpu.memory_space<hbm>> -> memref<1x8192xf32, #tpu.memory_space<hbm>>
    %dma_wait3A_134 = tpu.memref_squeeze %dma_wait3A_133 : memref<1x8192xf32, #tpu.memory_space<hbm>> -> memref<8192xf32, #tpu.memory_space<hbm>>
    tpu.wait_dma2 semaphore(%arg11 : memref<!tpu.dma_semaphore, #tpu.memory_space<semaphore_mem>>) src(%arg8 : memref<8192xf32, #tpu.memory_space<vmem>>) dst(%dma_wait3A_134 : memref<8192xf32, #tpu.memory_space<hbm>>)
    %parallel_loop3A_135 = arith.constant 0 : i32
    %parallel_loop3A_136 = arith.constant 512 : i32
    %parallel_loop3A_137 = arith.constant 1 : i32
    scf.for %parallel_loop3A_565 = %parallel_loop3A_135 to %parallel_loop3A_136 step %parallel_loop3A_137  : i32 {
      %parallel_loop3A_566 = arith.constant 16 : i32
      %parallel_loop3A_567 = arith.muli %parallel_loop3A_565, %parallel_loop3A_566 : i32
      %parallel_loop3A_568 = arith.index_cast %parallel_loop3A_567 : i32 to index
      %parallel_loop3A_569 = tpu.vector_load %arg6[%parallel_loop3A_568] {strides = array<i32>} : memref<8192xi32, #tpu.memory_space<vmem>>, vector<16xi32>,
      %parallel_loop3A_570 = tpu.vector_load_idx %arg5[%parallel_loop3A_569] : memref<100000xf32, #tpu.memory_space<vmem>>[vector<16xi32>], vector<16xf32>,
      %parallel_loop3A_571 = arith.index_cast %parallel_loop3A_567 : i32 to index
      %parallel_loop3A_572 = tpu.vector_load %arg8[%parallel_loop3A_571] {strides = array<i32>} : memref<8192xf32, #tpu.memory_space<vmem>>, vector<16xf32>,
      tpu.vector_store %arg8[%parallel_loop3A_571], %parallel_loop3A_570 {strides = array<i32>} : memref<8192xf32, #tpu.memory_space<vmem>>, vector<16xf32>,
    } {sc.loop_unroll_factor = 8 : i64, sc.parallel_access}
    %dma_start3A_138 = arith.constant 8192 : i32
    %dma_start3A_139 = tpu.memref_slice %arg4[%add3A_61, %dma_start3A_138] : memref<208x16384xf32, #tpu.memory_space<hbm>> -> memref<1x8192xf32, #tpu.memory_space<hbm>>
    %dma_start3A_140 = tpu.memref_squeeze %dma_start3A_139 : memref<1x8192xf32, #tpu.memory_space<hbm>> -> memref<8192xf32, #tpu.memory_space<hbm>>
    %dma_start3A_141 = arith.constant 8192 : i32
    %dma_start3A_142 = tpu.memref_slice %arg4[%add3A_61, %dma_start3A_141] : memref<208x16384xf32, #tpu.memory_space<hbm>> -> memref<1x8192xf32, #tpu.memory_space<hbm>>
    %dma_start3A_143 = tpu.memref_squeeze %dma_start3A_142 : memref<1x8192xf32, #tpu.memory_space<hbm>> -> memref<8192xf32, #tpu.memory_space<hbm>>
    tpu.enqueue_dma source(%arg8 : memref<8192xf32, #tpu.memory_space<vmem>>) target(%dma_start3A_143 : memref<8192xf32, #tpu.memory_space<hbm>>) target_semaphore(%arg11 : memref<!tpu.dma_semaphore, #tpu.memory_space<semaphore_mem>>)
    %add3A_144 = arith.constant 64 : i32
    %add3A_145 = arith.addi %add3A_144, %add3A : i32
    %jit3A_146 = arith.constant 8 : i32
    %div3A_147 = arith.divsi %add3A_145, %jit3A_146 : i32
    %sign3A_148 = arith.constant 0 : i32
    %sign3A_149 = arith.cmpi sgt, %add3A_145, %sign3A_148 : i32
    %sign3A_150 = arith.extui %sign3A_149 : i1 to i32
    %sign3A_151 = arith.constant 0 : i32
    %sign3A_152 = arith.cmpi slt, %add3A_145, %sign3A_151 : i32
    %sign3A_153 = arith.extui %sign3A_152 : i1 to i32
    %sign3A_154 = arith.subi %sign3A_150, %sign3A_153 : i32
    %sign3A_155 = arith.constant 0 : i32
    %sign3A_156 = arith.cmpi sgt, %jit3A_146, %sign3A_155 : i32
    %sign3A_157 = arith.extui %sign3A_156 : i1 to i32
    %sign3A_158 = arith.constant 0 : i32
    %sign3A_159 = arith.cmpi slt, %jit3A_146, %sign3A_158 : i32
    %sign3A_160 = arith.extui %sign3A_159 : i1 to i32
    %sign3A_161 = arith.subi %sign3A_157, %sign3A_160 : i32
    %ne3A_162 = arith.cmpi ne, %sign3A_154, %sign3A_161 : i32
    %rem3A_163 = arith.remsi %add3A_145, %jit3A_146 : i32
    %ne3A_164 = arith.constant 0 : i32
    %ne3A_165 = arith.cmpi ne, %rem3A_163, %ne3A_164 : i32
    %and3A_166 = arith.andi %ne3A_162, %ne3A_165 : i1
    %sub3A_167 = arith.constant 1 : i32
    %sub3A_168 = arith.subi %div3A_147, %sub3A_167 : i32
    %select_n3A_169 = arith.select %and3A_166, %sub3A_168, %div3A_147 : i32
    %jit3A_170 = arith.constant 8 : i32
    %eq3A_171 = arith.constant 0 : i32
    %eq3A_172 = arith.cmpi eq, %jit3A_170, %eq3A_171 : i32
    %jit3A_173 = arith.constant 1 : i32
    %select_n3A_174 = arith.select %eq3A_172, %jit3A_173, %jit3A_170 : i32
    %rem3A_175 = arith.remsi %add3A_145, %select_n3A_174 : i32
    %ne3A_176 = arith.constant 0 : i32
    %ne3A_177 = arith.cmpi ne, %rem3A_175, %ne3A_176 : i32
    %lt3A_178 = arith.constant 0 : i32
    %lt3A_179 = arith.cmpi slt, %rem3A_175, %lt3A_178 : i32
    %lt3A_180 = arith.constant 0 : i32
    %lt3A_181 = arith.cmpi slt, %select_n3A_174, %lt3A_180 : i32
    %ne3A_182 = arith.xori %lt3A_179, %lt3A_181 : i1
    %and3A_183 = arith.andi %ne3A_182, %ne3A_177 : i1
    %add3A_184 = arith.addi %rem3A_175, %select_n3A_174 : i32
    %select_n3A_185 = arith.select %and3A_183, %add3A_184, %rem3A_175 : i32
    %dma_start3A_186 = arith.constant 0 : i32
    %dma_start3A_187 = tpu.memref_slice %arg2[%select_n3A_169, %select_n3A_185, %dma_start3A_186] : memref<26x8x100000xf32, #tpu.memory_space<hbm>> -> memref<1x1x100000xf32, #tpu.memory_space<hbm>>
    %dma_start3A_188 = tpu.memref_squeeze %dma_start3A_187 : memref<1x1x100000xf32, #tpu.memory_space<hbm>> -> memref<100000xf32, #tpu.memory_space<hbm>>
    %dma_start3A_189 = arith.constant 0 : i32
    %dma_start3A_190 = tpu.memref_slice %arg2[%select_n3A_169, %select_n3A_185, %dma_start3A_189] : memref<26x8x100000xf32, #tpu.memory_space<hbm>> -> memref<1x1x100000xf32, #tpu.memory_space<hbm>>
    %dma_start3A_191 = tpu.memref_squeeze %dma_start3A_190 : memref<1x1x100000xf32, #tpu.memory_space<hbm>> -> memref<100000xf32, #tpu.memory_space<hbm>>
    tpu.enqueue_dma source(%dma_start3A_191 : memref<100000xf32, #tpu.memory_space<hbm>>) target(%arg5 : memref<100000xf32, #tpu.memory_space<vmem>>) target_semaphore(%arg9 : memref<!tpu.dma_semaphore, #tpu.memory_space<semaphore_mem>>)
    "tpu.region"() ({
      %run_scoped3A = tpu.sem_alloc : memref<!tpu.dma_semaphore, #tpu.memory_space<semaphore_mem>>
      %dma_start3A_565 = arith.constant 0 : i32
      %dma_start3A_566 = tpu.memref_slice %arg3[%select_n3A_169, %dma_start3A_565] : memref<26x16384xi32, #tpu.memory_space<hbm>> -> memref<1x8192xi32, #tpu.memory_space<hbm>>
      %dma_start3A_567 = tpu.memref_squeeze %dma_start3A_566 : memref<1x8192xi32, #tpu.memory_space<hbm>> -> memref<8192xi32, #tpu.memory_space<hbm>>
      %dma_start3A_568 = arith.constant 0 : i32
      %dma_start3A_569 = tpu.memref_slice %arg3[%select_n3A_169, %dma_start3A_568] : memref<26x16384xi32, #tpu.memory_space<hbm>> -> memref<1x8192xi32, #tpu.memory_space<hbm>>
      %dma_start3A_570 = tpu.memref_squeeze %dma_start3A_569 : memref<1x8192xi32, #tpu.memory_space<hbm>> -> memref<8192xi32, #tpu.memory_space<hbm>>
      tpu.enqueue_dma source(%dma_start3A_570 : memref<8192xi32, #tpu.memory_space<hbm>>) target(%arg6 : memref<8192xi32, #tpu.memory_space<vmem>>) target_semaphore(%run_scoped3A : memref<!tpu.dma_semaphore, #tpu.memory_space<semaphore_mem>>)
      %dma_wait3A_571 = arith.constant 0 : i32
      %dma_wait3A_572 = tpu.memref_slice %arg3[%select_n3A_169, %dma_wait3A_571] : memref<26x16384xi32, #tpu.memory_space<hbm>> -> memref<1x8192xi32, #tpu.memory_space<hbm>>
      %dma_wait3A_573 = tpu.memref_squeeze %dma_wait3A_572 : memref<1x8192xi32, #tpu.memory_space<hbm>> -> memref<8192xi32, #tpu.memory_space<hbm>>
      %dma_wait3A_574 = arith.constant 0 : i32
      %dma_wait3A_575 = tpu.memref_slice %arg3[%select_n3A_169, %dma_wait3A_574] : memref<26x16384xi32, #tpu.memory_space<hbm>> -> memref<1x8192xi32, #tpu.memory_space<hbm>>
      %dma_wait3A_576 = tpu.memref_squeeze %dma_wait3A_575 : memref<1x8192xi32, #tpu.memory_space<hbm>> -> memref<8192xi32, #tpu.memory_space<hbm>>
      tpu.wait_dma2 semaphore(%run_scoped3A : memref<!tpu.dma_semaphore, #tpu.memory_space<semaphore_mem>>) src(%dma_wait3A_576 : memref<8192xi32, #tpu.memory_space<hbm>>) dst(%arg6 : memref<8192xi32, #tpu.memory_space<vmem>>)
      tpu.yield
    }) : () -> ()
    %dma_wait3A_192 = arith.constant 0 : i32
    %dma_wait3A_193 = tpu.memref_slice %arg2[%select_n3A_169, %select_n3A_185, %dma_wait3A_192] : memref<26x8x100000xf32, #tpu.memory_space<hbm>> -> memref<1x1x100000xf32, #tpu.memory_space<hbm>>
    %dma_wait3A_194 = tpu.memref_squeeze %dma_wait3A_193 : memref<1x1x100000xf32, #tpu.memory_space<hbm>> -> memref<100000xf32, #tpu.memory_space<hbm>>
    %dma_wait3A_195 = arith.constant 0 : i32
    %dma_wait3A_196 = tpu.memref_slice %arg2[%select_n3A_169, %select_n3A_185, %dma_wait3A_195] : memref<26x8x100000xf32, #tpu.memory_space<hbm>> -> memref<1x1x100000xf32, #tpu.memory_space<hbm>>
    %dma_wait3A_197 = tpu.memref_squeeze %dma_wait3A_196 : memref<1x1x100000xf32, #tpu.memory_space<hbm>> -> memref<100000xf32, #tpu.memory_space<hbm>>
    tpu.wait_dma2 semaphore(%arg9 : memref<!tpu.dma_semaphore, #tpu.memory_space<semaphore_mem>>) src(%dma_wait3A_197 : memref<100000xf32, #tpu.memory_space<hbm>>) dst(%arg5 : memref<100000xf32, #tpu.memory_space<vmem>>)
    %dma_wait3A_198 = arith.constant 0 : i32
    %dma_wait3A_199 = tpu.memref_slice %arg4[%add3A_61, %dma_wait3A_198] : memref<208x16384xf32, #tpu.memory_space<hbm>> -> memref<1x8192xf32, #tpu.memory_space<hbm>>
    %dma_wait3A_200 = tpu.memref_squeeze %dma_wait3A_199 : memref<1x8192xf32, #tpu.memory_space<hbm>> -> memref<8192xf32, #tpu.memory_space<hbm>>
    %dma_wait3A_201 = arith.constant 0 : i32
    %dma_wait3A_202 = tpu.memref_slice %arg4[%add3A_61, %dma_wait3A_201] : memref<208x16384xf32, #tpu.memory_space<hbm>> -> memref<1x8192xf32, #tpu.memory_space<hbm>>
    %dma_wait3A_203 = tpu.memref_squeeze %dma_wait3A_202 : memref<1x8192xf32, #tpu.memory_space<hbm>> -> memref<8192xf32, #tpu.memory_space<hbm>>
    tpu.wait_dma2 semaphore(%arg10 : memref<!tpu.dma_semaphore, #tpu.memory_space<semaphore_mem>>) src(%arg7 : memref<8192xf32, #tpu.memory_space<vmem>>) dst(%dma_wait3A_203 : memref<8192xf32, #tpu.memory_space<hbm>>)
    %parallel_loop3A_204 = arith.constant 0 : i32
    %parallel_loop3A_205 = arith.constant 512 : i32
    %parallel_loop3A_206 = arith.constant 1 : i32
    scf.for %parallel_loop3A_565 = %parallel_loop3A_204 to %parallel_loop3A_205 step %parallel_loop3A_206  : i32 {
      %parallel_loop3A_566 = arith.constant 16 : i32
      %parallel_loop3A_567 = arith.muli %parallel_loop3A_565, %parallel_loop3A_566 : i32
      %parallel_loop3A_568 = arith.index_cast %parallel_loop3A_567 : i32 to index
      %parallel_loop3A_569 = tpu.vector_load %arg6[%parallel_loop3A_568] {strides = array<i32>} : memref<8192xi32, #tpu.memory_space<vmem>>, vector<16xi32>,
      %parallel_loop3A_570 = tpu.vector_load_idx %arg5[%parallel_loop3A_569] : memref<100000xf32, #tpu.memory_space<vmem>>[vector<16xi32>], vector<16xf32>,
      %parallel_loop3A_571 = arith.index_cast %parallel_loop3A_567 : i32 to index
      %parallel_loop3A_572 = tpu.vector_load %arg7[%parallel_loop3A_571] {strides = array<i32>} : memref<8192xf32, #tpu.memory_space<vmem>>, vector<16xf32>,
      tpu.vector_store %arg7[%parallel_loop3A_571], %parallel_loop3A_570 {strides = array<i32>} : memref<8192xf32, #tpu.memory_space<vmem>>, vector<16xf32>,
    } {sc.loop_unroll_factor = 8 : i64, sc.parallel_access}
    %dma_start3A_207 = arith.constant 0 : i32
    %dma_start3A_208 = tpu.memref_slice %arg4[%add3A_145, %dma_start3A_207] : memref<208x16384xf32, #tpu.memory_space<hbm>> -> memref<1x8192xf32, #tpu.memory_space<hbm>>
    %dma_start3A_209 = tpu.memref_squeeze %dma_start3A_208 : memref<1x8192xf32, #tpu.memory_space<hbm>> -> memref<8192xf32, #tpu.memory_space<hbm>>
    %dma_start3A_210 = arith.constant 0 : i32
    %dma_start3A_211 = tpu.memref_slice %arg4[%add3A_145, %dma_start3A_210] : memref<208x16384xf32, #tpu.memory_space<hbm>> -> memref<1x8192xf32, #tpu.memory_space<hbm>>
    %dma_start3A_212 = tpu.memref_squeeze %dma_start3A_211 : memref<1x8192xf32, #tpu.memory_space<hbm>> -> memref<8192xf32, #tpu.memory_space<hbm>>
    tpu.enqueue_dma source(%arg7 : memref<8192xf32, #tpu.memory_space<vmem>>) target(%dma_start3A_212 : memref<8192xf32, #tpu.memory_space<hbm>>) target_semaphore(%arg10 : memref<!tpu.dma_semaphore, #tpu.memory_space<semaphore_mem>>)
    "tpu.region"() ({
      %run_scoped3A = tpu.sem_alloc : memref<!tpu.dma_semaphore, #tpu.memory_space<semaphore_mem>>
      %dma_start3A_565 = arith.constant 8192 : i32
      %dma_start3A_566 = tpu.memref_slice %arg3[%select_n3A_169, %dma_start3A_565] : memref<26x16384xi32, #tpu.memory_space<hbm>> -> memref<1x8192xi32, #tpu.memory_space<hbm>>
      %dma_start3A_567 = tpu.memref_squeeze %dma_start3A_566 : memref<1x8192xi32, #tpu.memory_space<hbm>> -> memref<8192xi32, #tpu.memory_space<hbm>>
      %dma_start3A_568 = arith.constant 8192 : i32
      %dma_start3A_569 = tpu.memref_slice %arg3[%select_n3A_169, %dma_start3A_568] : memref<26x16384xi32, #tpu.memory_space<hbm>> -> memref<1x8192xi32, #tpu.memory_space<hbm>>
      %dma_start3A_570 = tpu.memref_squeeze %dma_start3A_569 : memref<1x8192xi32, #tpu.memory_space<hbm>> -> memref<8192xi32, #tpu.memory_space<hbm>>
      tpu.enqueue_dma source(%dma_start3A_570 : memref<8192xi32, #tpu.memory_space<hbm>>) target(%arg6 : memref<8192xi32, #tpu.memory_space<vmem>>) target_semaphore(%run_scoped3A : memref<!tpu.dma_semaphore, #tpu.memory_space<semaphore_mem>>)
      %dma_wait3A_571 = arith.constant 8192 : i32
      %dma_wait3A_572 = tpu.memref_slice %arg3[%select_n3A_169, %dma_wait3A_571] : memref<26x16384xi32, #tpu.memory_space<hbm>> -> memref<1x8192xi32, #tpu.memory_space<hbm>>
      %dma_wait3A_573 = tpu.memref_squeeze %dma_wait3A_572 : memref<1x8192xi32, #tpu.memory_space<hbm>> -> memref<8192xi32, #tpu.memory_space<hbm>>
      %dma_wait3A_574 = arith.constant 8192 : i32
      %dma_wait3A_575 = tpu.memref_slice %arg3[%select_n3A_169, %dma_wait3A_574] : memref<26x16384xi32, #tpu.memory_space<hbm>> -> memref<1x8192xi32, #tpu.memory_space<hbm>>
      %dma_wait3A_576 = tpu.memref_squeeze %dma_wait3A_575 : memref<1x8192xi32, #tpu.memory_space<hbm>> -> memref<8192xi32, #tpu.memory_space<hbm>>
      tpu.wait_dma2 semaphore(%run_scoped3A : memref<!tpu.dma_semaphore, #tpu.memory_space<semaphore_mem>>) src(%dma_wait3A_576 : memref<8192xi32, #tpu.memory_space<hbm>>) dst(%arg6 : memref<8192xi32, #tpu.memory_space<vmem>>)
      tpu.yield
    }) : () -> ()
    %dma_wait3A_213 = arith.constant 8192 : i32
    %dma_wait3A_214 = tpu.memref_slice %arg4[%add3A_61, %dma_wait3A_213] : memref<208x16384xf32, #tpu.memory_space<hbm>> -> memref<1x8192xf32, #tpu.memory_space<hbm>>
    %dma_wait3A_215 = tpu.memref_squeeze %dma_wait3A_214 : memref<1x8192xf32, #tpu.memory_space<hbm>> -> memref<8192xf32, #tpu.memory_space<hbm>>
    %dma_wait3A_216 = arith.constant 8192 : i32
    %dma_wait3A_217 = tpu.memref_slice %arg4[%add3A_61, %dma_wait3A_216] : memref<208x16384xf32, #tpu.memory_space<hbm>> -> memref<1x8192xf32, #tpu.memory_space<hbm>>
    %dma_wait3A_218 = tpu.memref_squeeze %dma_wait3A_217 : memref<1x8192xf32, #tpu.memory_space<hbm>> -> memref<8192xf32, #tpu.memory_space<hbm>>
    tpu.wait_dma2 semaphore(%arg11 : memref<!tpu.dma_semaphore, #tpu.memory_space<semaphore_mem>>) src(%arg8 : memref<8192xf32, #tpu.memory_space<vmem>>) dst(%dma_wait3A_218 : memref<8192xf32, #tpu.memory_space<hbm>>)
    %parallel_loop3A_219 = arith.constant 0 : i32
    %parallel_loop3A_220 = arith.constant 512 : i32
    %parallel_loop3A_221 = arith.constant 1 : i32
    scf.for %parallel_loop3A_565 = %parallel_loop3A_219 to %parallel_loop3A_220 step %parallel_loop3A_221  : i32 {
      %parallel_loop3A_566 = arith.constant 16 : i32
      %parallel_loop3A_567 = arith.muli %parallel_loop3A_565, %parallel_loop3A_566 : i32
      %parallel_loop3A_568 = arith.index_cast %parallel_loop3A_567 : i32 to index
      %parallel_loop3A_569 = tpu.vector_load %arg6[%parallel_loop3A_568] {strides = array<i32>} : memref<8192xi32, #tpu.memory_space<vmem>>, vector<16xi32>,
      %parallel_loop3A_570 = tpu.vector_load_idx %arg5[%parallel_loop3A_569] : memref<100000xf32, #tpu.memory_space<vmem>>[vector<16xi32>], vector<16xf32>,
      %parallel_loop3A_571 = arith.index_cast %parallel_loop3A_567 : i32 to index
      %parallel_loop3A_572 = tpu.vector_load %arg8[%parallel_loop3A_571] {strides = array<i32>} : memref<8192xf32, #tpu.memory_space<vmem>>, vector<16xf32>,
      tpu.vector_store %arg8[%parallel_loop3A_571], %parallel_loop3A_570 {strides = array<i32>} : memref<8192xf32, #tpu.memory_space<vmem>>, vector<16xf32>,
    } {sc.loop_unroll_factor = 8 : i64, sc.parallel_access}
    %dma_start3A_222 = arith.constant 8192 : i32
    %dma_start3A_223 = tpu.memref_slice %arg4[%add3A_145, %dma_start3A_222] : memref<208x16384xf32, #tpu.memory_space<hbm>> -> memref<1x8192xf32, #tpu.memory_space<hbm>>
    %dma_start3A_224 = tpu.memref_squeeze %dma_start3A_223 : memref<1x8192xf32, #tpu.memory_space<hbm>> -> memref<8192xf32, #tpu.memory_space<hbm>>
    %dma_start3A_225 = arith.constant 8192 : i32
    %dma_start3A_226 = tpu.memref_slice %arg4[%add3A_145, %dma_start3A_225] : memref<208x16384xf32, #tpu.memory_space<hbm>> -> memref<1x8192xf32, #tpu.memory_space<hbm>>
    %dma_start3A_227 = tpu.memref_squeeze %dma_start3A_226 : memref<1x8192xf32, #tpu.memory_space<hbm>> -> memref<8192xf32, #tpu.memory_space<hbm>>
    tpu.enqueue_dma source(%arg8 : memref<8192xf32, #tpu.memory_space<vmem>>) target(%dma_start3A_227 : memref<8192xf32, #tpu.memory_space<hbm>>) target_semaphore(%arg11 : memref<!tpu.dma_semaphore, #tpu.memory_space<semaphore_mem>>)
    %add3A_228 = arith.constant 96 : i32
    %add3A_229 = arith.addi %add3A_228, %add3A : i32
    %jit3A_230 = arith.constant 8 : i32
    %div3A_231 = arith.divsi %add3A_229, %jit3A_230 : i32
    %sign3A_232 = arith.constant 0 : i32
    %sign3A_233 = arith.cmpi sgt, %add3A_229, %sign3A_232 : i32
    %sign3A_234 = arith.extui %sign3A_233 : i1 to i32
    %sign3A_235 = arith.constant 0 : i32
    %sign3A_236 = arith.cmpi slt, %add3A_229, %sign3A_235 : i32
    %sign3A_237 = arith.extui %sign3A_236 : i1 to i32
    %sign3A_238 = arith.subi %sign3A_234, %sign3A_237 : i32
    %sign3A_239 = arith.constant 0 : i32
    %sign3A_240 = arith.cmpi sgt, %jit3A_230, %sign3A_239 : i32
    %sign3A_241 = arith.extui %sign3A_240 : i1 to i32
    %sign3A_242 = arith.constant 0 : i32
    %sign3A_243 = arith.cmpi slt, %jit3A_230, %sign3A_242 : i32
    %sign3A_244 = arith.extui %sign3A_243 : i1 to i32
    %sign3A_245 = arith.subi %sign3A_241, %sign3A_244 : i32
    %ne3A_246 = arith.cmpi ne, %sign3A_238, %sign3A_245 : i32
    %rem3A_247 = arith.remsi %add3A_229, %jit3A_230 : i32
    %ne3A_248 = arith.constant 0 : i32
    %ne3A_249 = arith.cmpi ne, %rem3A_247, %ne3A_248 : i32
    %and3A_250 = arith.andi %ne3A_246, %ne3A_249 : i1
    %sub3A_251 = arith.constant 1 : i32
    %sub3A_252 = arith.subi %div3A_231, %sub3A_251 : i32
    %select_n3A_253 = arith.select %and3A_250, %sub3A_252, %div3A_231 : i32
    %jit3A_254 = arith.constant 8 : i32
    %eq3A_255 = arith.constant 0 : i32
    %eq3A_256 = arith.cmpi eq, %jit3A_254, %eq3A_255 : i32
    %jit3A_257 = arith.constant 1 : i32
    %select_n3A_258 = arith.select %eq3A_256, %jit3A_257, %jit3A_254 : i32
    %rem3A_259 = arith.remsi %add3A_229, %select_n3A_258 : i32
    %ne3A_260 = arith.constant 0 : i32
    %ne3A_261 = arith.cmpi ne, %rem3A_259, %ne3A_260 : i32
    %lt3A_262 = arith.constant 0 : i32
    %lt3A_263 = arith.cmpi slt, %rem3A_259, %lt3A_262 : i32
    %lt3A_264 = arith.constant 0 : i32
    %lt3A_265 = arith.cmpi slt, %select_n3A_258, %lt3A_264 : i32
    %ne3A_266 = arith.xori %lt3A_263, %lt3A_265 : i1
    %and3A_267 = arith.andi %ne3A_266, %ne3A_261 : i1
    %add3A_268 = arith.addi %rem3A_259, %select_n3A_258 : i32
    %select_n3A_269 = arith.select %and3A_267, %add3A_268, %rem3A_259 : i32
    %dma_start3A_270 = arith.constant 0 : i32
    %dma_start3A_271 = tpu.memref_slice %arg2[%select_n3A_253, %select_n3A_269, %dma_start3A_270] : memref<26x8x100000xf32, #tpu.memory_space<hbm>> -> memref<1x1x100000xf32, #tpu.memory_space<hbm>>
    %dma_start3A_272 = tpu.memref_squeeze %dma_start3A_271 : memref<1x1x100000xf32, #tpu.memory_space<hbm>> -> memref<100000xf32, #tpu.memory_space<hbm>>
    %dma_start3A_273 = arith.constant 0 : i32
    %dma_start3A_274 = tpu.memref_slice %arg2[%select_n3A_253, %select_n3A_269, %dma_start3A_273] : memref<26x8x100000xf32, #tpu.memory_space<hbm>> -> memref<1x1x100000xf32, #tpu.memory_space<hbm>>
    %dma_start3A_275 = tpu.memref_squeeze %dma_start3A_274 : memref<1x1x100000xf32, #tpu.memory_space<hbm>> -> memref<100000xf32, #tpu.memory_space<hbm>>
    tpu.enqueue_dma source(%dma_start3A_275 : memref<100000xf32, #tpu.memory_space<hbm>>) target(%arg5 : memref<100000xf32, #tpu.memory_space<vmem>>) target_semaphore(%arg9 : memref<!tpu.dma_semaphore, #tpu.memory_space<semaphore_mem>>)
    "tpu.region"() ({
      %run_scoped3A = tpu.sem_alloc : memref<!tpu.dma_semaphore, #tpu.memory_space<semaphore_mem>>
      %dma_start3A_565 = arith.constant 0 : i32
      %dma_start3A_566 = tpu.memref_slice %arg3[%select_n3A_253, %dma_start3A_565] : memref<26x16384xi32, #tpu.memory_space<hbm>> -> memref<1x8192xi32, #tpu.memory_space<hbm>>
      %dma_start3A_567 = tpu.memref_squeeze %dma_start3A_566 : memref<1x8192xi32, #tpu.memory_space<hbm>> -> memref<8192xi32, #tpu.memory_space<hbm>>
      %dma_start3A_568 = arith.constant 0 : i32
      %dma_start3A_569 = tpu.memref_slice %arg3[%select_n3A_253, %dma_start3A_568] : memref<26x16384xi32, #tpu.memory_space<hbm>> -> memref<1x8192xi32, #tpu.memory_space<hbm>>
      %dma_start3A_570 = tpu.memref_squeeze %dma_start3A_569 : memref<1x8192xi32, #tpu.memory_space<hbm>> -> memref<8192xi32, #tpu.memory_space<hbm>>
      tpu.enqueue_dma source(%dma_start3A_570 : memref<8192xi32, #tpu.memory_space<hbm>>) target(%arg6 : memref<8192xi32, #tpu.memory_space<vmem>>) target_semaphore(%run_scoped3A : memref<!tpu.dma_semaphore, #tpu.memory_space<semaphore_mem>>)
      %dma_wait3A_571 = arith.constant 0 : i32
      %dma_wait3A_572 = tpu.memref_slice %arg3[%select_n3A_253, %dma_wait3A_571] : memref<26x16384xi32, #tpu.memory_space<hbm>> -> memref<1x8192xi32, #tpu.memory_space<hbm>>
      %dma_wait3A_573 = tpu.memref_squeeze %dma_wait3A_572 : memref<1x8192xi32, #tpu.memory_space<hbm>> -> memref<8192xi32, #tpu.memory_space<hbm>>
      %dma_wait3A_574 = arith.constant 0 : i32
      %dma_wait3A_575 = tpu.memref_slice %arg3[%select_n3A_253, %dma_wait3A_574] : memref<26x16384xi32, #tpu.memory_space<hbm>> -> memref<1x8192xi32, #tpu.memory_space<hbm>>
      %dma_wait3A_576 = tpu.memref_squeeze %dma_wait3A_575 : memref<1x8192xi32, #tpu.memory_space<hbm>> -> memref<8192xi32, #tpu.memory_space<hbm>>
      tpu.wait_dma2 semaphore(%run_scoped3A : memref<!tpu.dma_semaphore, #tpu.memory_space<semaphore_mem>>) src(%dma_wait3A_576 : memref<8192xi32, #tpu.memory_space<hbm>>) dst(%arg6 : memref<8192xi32, #tpu.memory_space<vmem>>)
      tpu.yield
    }) : () -> ()
    %dma_wait3A_276 = arith.constant 0 : i32
    %dma_wait3A_277 = tpu.memref_slice %arg2[%select_n3A_253, %select_n3A_269, %dma_wait3A_276] : memref<26x8x100000xf32, #tpu.memory_space<hbm>> -> memref<1x1x100000xf32, #tpu.memory_space<hbm>>
    %dma_wait3A_278 = tpu.memref_squeeze %dma_wait3A_277 : memref<1x1x100000xf32, #tpu.memory_space<hbm>> -> memref<100000xf32, #tpu.memory_space<hbm>>
    %dma_wait3A_279 = arith.constant 0 : i32
    %dma_wait3A_280 = tpu.memref_slice %arg2[%select_n3A_253, %select_n3A_269, %dma_wait3A_279] : memref<26x8x100000xf32, #tpu.memory_space<hbm>> -> memref<1x1x100000xf32, #tpu.memory_space<hbm>>
    %dma_wait3A_281 = tpu.memref_squeeze %dma_wait3A_280 : memref<1x1x100000xf32, #tpu.memory_space<hbm>> -> memref<100000xf32, #tpu.memory_space<hbm>>
    tpu.wait_dma2 semaphore(%arg9 : memref<!tpu.dma_semaphore, #tpu.memory_space<semaphore_mem>>) src(%dma_wait3A_281 : memref<100000xf32, #tpu.memory_space<hbm>>) dst(%arg5 : memref<100000xf32, #tpu.memory_space<vmem>>)
    %dma_wait3A_282 = arith.constant 0 : i32
    %dma_wait3A_283 = tpu.memref_slice %arg4[%add3A_145, %dma_wait3A_282] : memref<208x16384xf32, #tpu.memory_space<hbm>> -> memref<1x8192xf32, #tpu.memory_space<hbm>>
    %dma_wait3A_284 = tpu.memref_squeeze %dma_wait3A_283 : memref<1x8192xf32, #tpu.memory_space<hbm>> -> memref<8192xf32, #tpu.memory_space<hbm>>
    %dma_wait3A_285 = arith.constant 0 : i32
    %dma_wait3A_286 = tpu.memref_slice %arg4[%add3A_145, %dma_wait3A_285] : memref<208x16384xf32, #tpu.memory_space<hbm>> -> memref<1x8192xf32, #tpu.memory_space<hbm>>
    %dma_wait3A_287 = tpu.memref_squeeze %dma_wait3A_286 : memref<1x8192xf32, #tpu.memory_space<hbm>> -> memref<8192xf32, #tpu.memory_space<hbm>>
    tpu.wait_dma2 semaphore(%arg10 : memref<!tpu.dma_semaphore, #tpu.memory_space<semaphore_mem>>) src(%arg7 : memref<8192xf32, #tpu.memory_space<vmem>>) dst(%dma_wait3A_287 : memref<8192xf32, #tpu.memory_space<hbm>>)
    %parallel_loop3A_288 = arith.constant 0 : i32
    %parallel_loop3A_289 = arith.constant 512 : i32
    %parallel_loop3A_290 = arith.constant 1 : i32
    scf.for %parallel_loop3A_565 = %parallel_loop3A_288 to %parallel_loop3A_289 step %parallel_loop3A_290  : i32 {
      %parallel_loop3A_566 = arith.constant 16 : i32
      %parallel_loop3A_567 = arith.muli %parallel_loop3A_565, %parallel_loop3A_566 : i32
      %parallel_loop3A_568 = arith.index_cast %parallel_loop3A_567 : i32 to index
      %parallel_loop3A_569 = tpu.vector_load %arg6[%parallel_loop3A_568] {strides = array<i32>} : memref<8192xi32, #tpu.memory_space<vmem>>, vector<16xi32>,
      %parallel_loop3A_570 = tpu.vector_load_idx %arg5[%parallel_loop3A_569] : memref<100000xf32, #tpu.memory_space<vmem>>[vector<16xi32>], vector<16xf32>,
      %parallel_loop3A_571 = arith.index_cast %parallel_loop3A_567 : i32 to index
      %parallel_loop3A_572 = tpu.vector_load %arg7[%parallel_loop3A_571] {strides = array<i32>} : memref<8192xf32, #tpu.memory_space<vmem>>, vector<16xf32>,
      tpu.vector_store %arg7[%parallel_loop3A_571], %parallel_loop3A_570 {strides = array<i32>} : memref<8192xf32, #tpu.memory_space<vmem>>, vector<16xf32>,
    } {sc.loop_unroll_factor = 8 : i64, sc.parallel_access}
    %dma_start3A_291 = arith.constant 0 : i32
    %dma_start3A_292 = tpu.memref_slice %arg4[%add3A_229, %dma_start3A_291] : memref<208x16384xf32, #tpu.memory_space<hbm>> -> memref<1x8192xf32, #tpu.memory_space<hbm>>
    %dma_start3A_293 = tpu.memref_squeeze %dma_start3A_292 : memref<1x8192xf32, #tpu.memory_space<hbm>> -> memref<8192xf32, #tpu.memory_space<hbm>>
    %dma_start3A_294 = arith.constant 0 : i32
    %dma_start3A_295 = tpu.memref_slice %arg4[%add3A_229, %dma_start3A_294] : memref<208x16384xf32, #tpu.memory_space<hbm>> -> memref<1x8192xf32, #tpu.memory_space<hbm>>
    %dma_start3A_296 = tpu.memref_squeeze %dma_start3A_295 : memref<1x8192xf32, #tpu.memory_space<hbm>> -> memref<8192xf32, #tpu.memory_space<hbm>>
    tpu.enqueue_dma source(%arg7 : memref<8192xf32, #tpu.memory_space<vmem>>) target(%dma_start3A_296 : memref<8192xf32, #tpu.memory_space<hbm>>) target_semaphore(%arg10 : memref<!tpu.dma_semaphore, #tpu.memory_space<semaphore_mem>>)
    "tpu.region"() ({
      %run_scoped3A = tpu.sem_alloc : memref<!tpu.dma_semaphore, #tpu.memory_space<semaphore_mem>>
      %dma_start3A_565 = arith.constant 8192 : i32
      %dma_start3A_566 = tpu.memref_slice %arg3[%select_n3A_253, %dma_start3A_565] : memref<26x16384xi32, #tpu.memory_space<hbm>> -> memref<1x8192xi32, #tpu.memory_space<hbm>>
      %dma_start3A_567 = tpu.memref_squeeze %dma_start3A_566 : memref<1x8192xi32, #tpu.memory_space<hbm>> -> memref<8192xi32, #tpu.memory_space<hbm>>
      %dma_start3A_568 = arith.constant 8192 : i32
      %dma_start3A_569 = tpu.memref_slice %arg3[%select_n3A_253, %dma_start3A_568] : memref<26x16384xi32, #tpu.memory_space<hbm>> -> memref<1x8192xi32, #tpu.memory_space<hbm>>
      %dma_start3A_570 = tpu.memref_squeeze %dma_start3A_569 : memref<1x8192xi32, #tpu.memory_space<hbm>> -> memref<8192xi32, #tpu.memory_space<hbm>>
      tpu.enqueue_dma source(%dma_start3A_570 : memref<8192xi32, #tpu.memory_space<hbm>>) target(%arg6 : memref<8192xi32, #tpu.memory_space<vmem>>) target_semaphore(%run_scoped3A : memref<!tpu.dma_semaphore, #tpu.memory_space<semaphore_mem>>)
      %dma_wait3A_571 = arith.constant 8192 : i32
      %dma_wait3A_572 = tpu.memref_slice %arg3[%select_n3A_253, %dma_wait3A_571] : memref<26x16384xi32, #tpu.memory_space<hbm>> -> memref<1x8192xi32, #tpu.memory_space<hbm>>
      %dma_wait3A_573 = tpu.memref_squeeze %dma_wait3A_572 : memref<1x8192xi32, #tpu.memory_space<hbm>> -> memref<8192xi32, #tpu.memory_space<hbm>>
      %dma_wait3A_574 = arith.constant 8192 : i32
      %dma_wait3A_575 = tpu.memref_slice %arg3[%select_n3A_253, %dma_wait3A_574] : memref<26x16384xi32, #tpu.memory_space<hbm>> -> memref<1x8192xi32, #tpu.memory_space<hbm>>
      %dma_wait3A_576 = tpu.memref_squeeze %dma_wait3A_575 : memref<1x8192xi32, #tpu.memory_space<hbm>> -> memref<8192xi32, #tpu.memory_space<hbm>>
      tpu.wait_dma2 semaphore(%run_scoped3A : memref<!tpu.dma_semaphore, #tpu.memory_space<semaphore_mem>>) src(%dma_wait3A_576 : memref<8192xi32, #tpu.memory_space<hbm>>) dst(%arg6 : memref<8192xi32, #tpu.memory_space<vmem>>)
      tpu.yield
    }) : () -> ()
    %dma_wait3A_297 = arith.constant 8192 : i32
    %dma_wait3A_298 = tpu.memref_slice %arg4[%add3A_145, %dma_wait3A_297] : memref<208x16384xf32, #tpu.memory_space<hbm>> -> memref<1x8192xf32, #tpu.memory_space<hbm>>
    %dma_wait3A_299 = tpu.memref_squeeze %dma_wait3A_298 : memref<1x8192xf32, #tpu.memory_space<hbm>> -> memref<8192xf32, #tpu.memory_space<hbm>>
    %dma_wait3A_300 = arith.constant 8192 : i32
    %dma_wait3A_301 = tpu.memref_slice %arg4[%add3A_145, %dma_wait3A_300] : memref<208x16384xf32, #tpu.memory_space<hbm>> -> memref<1x8192xf32, #tpu.memory_space<hbm>>
    %dma_wait3A_302 = tpu.memref_squeeze %dma_wait3A_301 : memref<1x8192xf32, #tpu.memory_space<hbm>> -> memref<8192xf32, #tpu.memory_space<hbm>>
    tpu.wait_dma2 semaphore(%arg11 : memref<!tpu.dma_semaphore, #tpu.memory_space<semaphore_mem>>) src(%arg8 : memref<8192xf32, #tpu.memory_space<vmem>>) dst(%dma_wait3A_302 : memref<8192xf32, #tpu.memory_space<hbm>>)
    %parallel_loop3A_303 = arith.constant 0 : i32
    %parallel_loop3A_304 = arith.constant 512 : i32
    %parallel_loop3A_305 = arith.constant 1 : i32
    scf.for %parallel_loop3A_565 = %parallel_loop3A_303 to %parallel_loop3A_304 step %parallel_loop3A_305  : i32 {
      %parallel_loop3A_566 = arith.constant 16 : i32
      %parallel_loop3A_567 = arith.muli %parallel_loop3A_565, %parallel_loop3A_566 : i32
      %parallel_loop3A_568 = arith.index_cast %parallel_loop3A_567 : i32 to index
      %parallel_loop3A_569 = tpu.vector_load %arg6[%parallel_loop3A_568] {strides = array<i32>} : memref<8192xi32, #tpu.memory_space<vmem>>, vector<16xi32>,
      %parallel_loop3A_570 = tpu.vector_load_idx %arg5[%parallel_loop3A_569] : memref<100000xf32, #tpu.memory_space<vmem>>[vector<16xi32>], vector<16xf32>,
      %parallel_loop3A_571 = arith.index_cast %parallel_loop3A_567 : i32 to index
      %parallel_loop3A_572 = tpu.vector_load %arg8[%parallel_loop3A_571] {strides = array<i32>} : memref<8192xf32, #tpu.memory_space<vmem>>, vector<16xf32>,
      tpu.vector_store %arg8[%parallel_loop3A_571], %parallel_loop3A_570 {strides = array<i32>} : memref<8192xf32, #tpu.memory_space<vmem>>, vector<16xf32>,
    } {sc.loop_unroll_factor = 8 : i64, sc.parallel_access}
    %dma_start3A_306 = arith.constant 8192 : i32
    %dma_start3A_307 = tpu.memref_slice %arg4[%add3A_229, %dma_start3A_306] : memref<208x16384xf32, #tpu.memory_space<hbm>> -> memref<1x8192xf32, #tpu.memory_space<hbm>>
    %dma_start3A_308 = tpu.memref_squeeze %dma_start3A_307 : memref<1x8192xf32, #tpu.memory_space<hbm>> -> memref<8192xf32, #tpu.memory_space<hbm>>
    %dma_start3A_309 = arith.constant 8192 : i32
    %dma_start3A_310 = tpu.memref_slice %arg4[%add3A_229, %dma_start3A_309] : memref<208x16384xf32, #tpu.memory_space<hbm>> -> memref<1x8192xf32, #tpu.memory_space<hbm>>
    %dma_start3A_311 = tpu.memref_squeeze %dma_start3A_310 : memref<1x8192xf32, #tpu.memory_space<hbm>> -> memref<8192xf32, #tpu.memory_space<hbm>>
    tpu.enqueue_dma source(%arg8 : memref<8192xf32, #tpu.memory_space<vmem>>) target(%dma_start3A_311 : memref<8192xf32, #tpu.memory_space<hbm>>) target_semaphore(%arg11 : memref<!tpu.dma_semaphore, #tpu.memory_space<semaphore_mem>>)
    %add3A_312 = arith.constant 128 : i32
    %add3A_313 = arith.addi %add3A_312, %add3A : i32
    %jit3A_314 = arith.constant 8 : i32
    %div3A_315 = arith.divsi %add3A_313, %jit3A_314 : i32
    %sign3A_316 = arith.constant 0 : i32
    %sign3A_317 = arith.cmpi sgt, %add3A_313, %sign3A_316 : i32
    %sign3A_318 = arith.extui %sign3A_317 : i1 to i32
    %sign3A_319 = arith.constant 0 : i32
    %sign3A_320 = arith.cmpi slt, %add3A_313, %sign3A_319 : i32
    %sign3A_321 = arith.extui %sign3A_320 : i1 to i32
    %sign3A_322 = arith.subi %sign3A_318, %sign3A_321 : i32
    %sign3A_323 = arith.constant 0 : i32
    %sign3A_324 = arith.cmpi sgt, %jit3A_314, %sign3A_323 : i32
    %sign3A_325 = arith.extui %sign3A_324 : i1 to i32
    %sign3A_326 = arith.constant 0 : i32
    %sign3A_327 = arith.cmpi slt, %jit3A_314, %sign3A_326 : i32
    %sign3A_328 = arith.extui %sign3A_327 : i1 to i32
    %sign3A_329 = arith.subi %sign3A_325, %sign3A_328 : i32
    %ne3A_330 = arith.cmpi ne, %sign3A_322, %sign3A_329 : i32
    %rem3A_331 = arith.remsi %add3A_313, %jit3A_314 : i32
    %ne3A_332 = arith.constant 0 : i32
    %ne3A_333 = arith.cmpi ne, %rem3A_331, %ne3A_332 : i32
    %and3A_334 = arith.andi %ne3A_330, %ne3A_333 : i1
    %sub3A_335 = arith.constant 1 : i32
    %sub3A_336 = arith.subi %div3A_315, %sub3A_335 : i32
    %select_n3A_337 = arith.select %and3A_334, %sub3A_336, %div3A_315 : i32
    %jit3A_338 = arith.constant 8 : i32
    %eq3A_339 = arith.constant 0 : i32
    %eq3A_340 = arith.cmpi eq, %jit3A_338, %eq3A_339 : i32
    %jit3A_341 = arith.constant 1 : i32
    %select_n3A_342 = arith.select %eq3A_340, %jit3A_341, %jit3A_338 : i32
    %rem3A_343 = arith.remsi %add3A_313, %select_n3A_342 : i32
    %ne3A_344 = arith.constant 0 : i32
    %ne3A_345 = arith.cmpi ne, %rem3A_343, %ne3A_344 : i32
    %lt3A_346 = arith.constant 0 : i32
    %lt3A_347 = arith.cmpi slt, %rem3A_343, %lt3A_346 : i32
    %lt3A_348 = arith.constant 0 : i32
    %lt3A_349 = arith.cmpi slt, %select_n3A_342, %lt3A_348 : i32
    %ne3A_350 = arith.xori %lt3A_347, %lt3A_349 : i1
    %and3A_351 = arith.andi %ne3A_350, %ne3A_345 : i1
    %add3A_352 = arith.addi %rem3A_343, %select_n3A_342 : i32
    %select_n3A_353 = arith.select %and3A_351, %add3A_352, %rem3A_343 : i32
    %dma_start3A_354 = arith.constant 0 : i32
    %dma_start3A_355 = tpu.memref_slice %arg2[%select_n3A_337, %select_n3A_353, %dma_start3A_354] : memref<26x8x100000xf32, #tpu.memory_space<hbm>> -> memref<1x1x100000xf32, #tpu.memory_space<hbm>>
    %dma_start3A_356 = tpu.memref_squeeze %dma_start3A_355 : memref<1x1x100000xf32, #tpu.memory_space<hbm>> -> memref<100000xf32, #tpu.memory_space<hbm>>
    %dma_start3A_357 = arith.constant 0 : i32
    %dma_start3A_358 = tpu.memref_slice %arg2[%select_n3A_337, %select_n3A_353, %dma_start3A_357] : memref<26x8x100000xf32, #tpu.memory_space<hbm>> -> memref<1x1x100000xf32, #tpu.memory_space<hbm>>
    %dma_start3A_359 = tpu.memref_squeeze %dma_start3A_358 : memref<1x1x100000xf32, #tpu.memory_space<hbm>> -> memref<100000xf32, #tpu.memory_space<hbm>>
    tpu.enqueue_dma source(%dma_start3A_359 : memref<100000xf32, #tpu.memory_space<hbm>>) target(%arg5 : memref<100000xf32, #tpu.memory_space<vmem>>) target_semaphore(%arg9 : memref<!tpu.dma_semaphore, #tpu.memory_space<semaphore_mem>>)
    "tpu.region"() ({
      %run_scoped3A = tpu.sem_alloc : memref<!tpu.dma_semaphore, #tpu.memory_space<semaphore_mem>>
      %dma_start3A_565 = arith.constant 0 : i32
      %dma_start3A_566 = tpu.memref_slice %arg3[%select_n3A_337, %dma_start3A_565] : memref<26x16384xi32, #tpu.memory_space<hbm>> -> memref<1x8192xi32, #tpu.memory_space<hbm>>
      %dma_start3A_567 = tpu.memref_squeeze %dma_start3A_566 : memref<1x8192xi32, #tpu.memory_space<hbm>> -> memref<8192xi32, #tpu.memory_space<hbm>>
      %dma_start3A_568 = arith.constant 0 : i32
      %dma_start3A_569 = tpu.memref_slice %arg3[%select_n3A_337, %dma_start3A_568] : memref<26x16384xi32, #tpu.memory_space<hbm>> -> memref<1x8192xi32, #tpu.memory_space<hbm>>
      %dma_start3A_570 = tpu.memref_squeeze %dma_start3A_569 : memref<1x8192xi32, #tpu.memory_space<hbm>> -> memref<8192xi32, #tpu.memory_space<hbm>>
      tpu.enqueue_dma source(%dma_start3A_570 : memref<8192xi32, #tpu.memory_space<hbm>>) target(%arg6 : memref<8192xi32, #tpu.memory_space<vmem>>) target_semaphore(%run_scoped3A : memref<!tpu.dma_semaphore, #tpu.memory_space<semaphore_mem>>)
      %dma_wait3A_571 = arith.constant 0 : i32
      %dma_wait3A_572 = tpu.memref_slice %arg3[%select_n3A_337, %dma_wait3A_571] : memref<26x16384xi32, #tpu.memory_space<hbm>> -> memref<1x8192xi32, #tpu.memory_space<hbm>>
      %dma_wait3A_573 = tpu.memref_squeeze %dma_wait3A_572 : memref<1x8192xi32, #tpu.memory_space<hbm>> -> memref<8192xi32, #tpu.memory_space<hbm>>
      %dma_wait3A_574 = arith.constant 0 : i32
      %dma_wait3A_575 = tpu.memref_slice %arg3[%select_n3A_337, %dma_wait3A_574] : memref<26x16384xi32, #tpu.memory_space<hbm>> -> memref<1x8192xi32, #tpu.memory_space<hbm>>
      %dma_wait3A_576 = tpu.memref_squeeze %dma_wait3A_575 : memref<1x8192xi32, #tpu.memory_space<hbm>> -> memref<8192xi32, #tpu.memory_space<hbm>>
      tpu.wait_dma2 semaphore(%run_scoped3A : memref<!tpu.dma_semaphore, #tpu.memory_space<semaphore_mem>>) src(%dma_wait3A_576 : memref<8192xi32, #tpu.memory_space<hbm>>) dst(%arg6 : memref<8192xi32, #tpu.memory_space<vmem>>)
      tpu.yield
    }) : () -> ()
    %dma_wait3A_360 = arith.constant 0 : i32
    %dma_wait3A_361 = tpu.memref_slice %arg2[%select_n3A_337, %select_n3A_353, %dma_wait3A_360] : memref<26x8x100000xf32, #tpu.memory_space<hbm>> -> memref<1x1x100000xf32, #tpu.memory_space<hbm>>
    %dma_wait3A_362 = tpu.memref_squeeze %dma_wait3A_361 : memref<1x1x100000xf32, #tpu.memory_space<hbm>> -> memref<100000xf32, #tpu.memory_space<hbm>>
    %dma_wait3A_363 = arith.constant 0 : i32
    %dma_wait3A_364 = tpu.memref_slice %arg2[%select_n3A_337, %select_n3A_353, %dma_wait3A_363] : memref<26x8x100000xf32, #tpu.memory_space<hbm>> -> memref<1x1x100000xf32, #tpu.memory_space<hbm>>
    %dma_wait3A_365 = tpu.memref_squeeze %dma_wait3A_364 : memref<1x1x100000xf32, #tpu.memory_space<hbm>> -> memref<100000xf32, #tpu.memory_space<hbm>>
    tpu.wait_dma2 semaphore(%arg9 : memref<!tpu.dma_semaphore, #tpu.memory_space<semaphore_mem>>) src(%dma_wait3A_365 : memref<100000xf32, #tpu.memory_space<hbm>>) dst(%arg5 : memref<100000xf32, #tpu.memory_space<vmem>>)
    %dma_wait3A_366 = arith.constant 0 : i32
    %dma_wait3A_367 = tpu.memref_slice %arg4[%add3A_229, %dma_wait3A_366] : memref<208x16384xf32, #tpu.memory_space<hbm>> -> memref<1x8192xf32, #tpu.memory_space<hbm>>
    %dma_wait3A_368 = tpu.memref_squeeze %dma_wait3A_367 : memref<1x8192xf32, #tpu.memory_space<hbm>> -> memref<8192xf32, #tpu.memory_space<hbm>>
    %dma_wait3A_369 = arith.constant 0 : i32
    %dma_wait3A_370 = tpu.memref_slice %arg4[%add3A_229, %dma_wait3A_369] : memref<208x16384xf32, #tpu.memory_space<hbm>> -> memref<1x8192xf32, #tpu.memory_space<hbm>>
    %dma_wait3A_371 = tpu.memref_squeeze %dma_wait3A_370 : memref<1x8192xf32, #tpu.memory_space<hbm>> -> memref<8192xf32, #tpu.memory_space<hbm>>
    tpu.wait_dma2 semaphore(%arg10 : memref<!tpu.dma_semaphore, #tpu.memory_space<semaphore_mem>>) src(%arg7 : memref<8192xf32, #tpu.memory_space<vmem>>) dst(%dma_wait3A_371 : memref<8192xf32, #tpu.memory_space<hbm>>)
    %parallel_loop3A_372 = arith.constant 0 : i32
    %parallel_loop3A_373 = arith.constant 512 : i32
    %parallel_loop3A_374 = arith.constant 1 : i32
    scf.for %parallel_loop3A_565 = %parallel_loop3A_372 to %parallel_loop3A_373 step %parallel_loop3A_374  : i32 {
      %parallel_loop3A_566 = arith.constant 16 : i32
      %parallel_loop3A_567 = arith.muli %parallel_loop3A_565, %parallel_loop3A_566 : i32
      %parallel_loop3A_568 = arith.index_cast %parallel_loop3A_567 : i32 to index
      %parallel_loop3A_569 = tpu.vector_load %arg6[%parallel_loop3A_568] {strides = array<i32>} : memref<8192xi32, #tpu.memory_space<vmem>>, vector<16xi32>,
      %parallel_loop3A_570 = tpu.vector_load_idx %arg5[%parallel_loop3A_569] : memref<100000xf32, #tpu.memory_space<vmem>>[vector<16xi32>], vector<16xf32>,
      %parallel_loop3A_571 = arith.index_cast %parallel_loop3A_567 : i32 to index
      %parallel_loop3A_572 = tpu.vector_load %arg7[%parallel_loop3A_571] {strides = array<i32>} : memref<8192xf32, #tpu.memory_space<vmem>>, vector<16xf32>,
      tpu.vector_store %arg7[%parallel_loop3A_571], %parallel_loop3A_570 {strides = array<i32>} : memref<8192xf32, #tpu.memory_space<vmem>>, vector<16xf32>,
    } {sc.loop_unroll_factor = 8 : i64, sc.parallel_access}
    %dma_start3A_375 = arith.constant 0 : i32
    %dma_start3A_376 = tpu.memref_slice %arg4[%add3A_313, %dma_start3A_375] : memref<208x16384xf32, #tpu.memory_space<hbm>> -> memref<1x8192xf32, #tpu.memory_space<hbm>>
    %dma_start3A_377 = tpu.memref_squeeze %dma_start3A_376 : memref<1x8192xf32, #tpu.memory_space<hbm>> -> memref<8192xf32, #tpu.memory_space<hbm>>
    %dma_start3A_378 = arith.constant 0 : i32
    %dma_start3A_379 = tpu.memref_slice %arg4[%add3A_313, %dma_start3A_378] : memref<208x16384xf32, #tpu.memory_space<hbm>> -> memref<1x8192xf32, #tpu.memory_space<hbm>>
    %dma_start3A_380 = tpu.memref_squeeze %dma_start3A_379 : memref<1x8192xf32, #tpu.memory_space<hbm>> -> memref<8192xf32, #tpu.memory_space<hbm>>
    tpu.enqueue_dma source(%arg7 : memref<8192xf32, #tpu.memory_space<vmem>>) target(%dma_start3A_380 : memref<8192xf32, #tpu.memory_space<hbm>>) target_semaphore(%arg10 : memref<!tpu.dma_semaphore, #tpu.memory_space<semaphore_mem>>)
    "tpu.region"() ({
      %run_scoped3A = tpu.sem_alloc : memref<!tpu.dma_semaphore, #tpu.memory_space<semaphore_mem>>
      %dma_start3A_565 = arith.constant 8192 : i32
      %dma_start3A_566 = tpu.memref_slice %arg3[%select_n3A_337, %dma_start3A_565] : memref<26x16384xi32, #tpu.memory_space<hbm>> -> memref<1x8192xi32, #tpu.memory_space<hbm>>
      %dma_start3A_567 = tpu.memref_squeeze %dma_start3A_566 : memref<1x8192xi32, #tpu.memory_space<hbm>> -> memref<8192xi32, #tpu.memory_space<hbm>>
      %dma_start3A_568 = arith.constant 8192 : i32
      %dma_start3A_569 = tpu.memref_slice %arg3[%select_n3A_337, %dma_start3A_568] : memref<26x16384xi32, #tpu.memory_space<hbm>> -> memref<1x8192xi32, #tpu.memory_space<hbm>>
      %dma_start3A_570 = tpu.memref_squeeze %dma_start3A_569 : memref<1x8192xi32, #tpu.memory_space<hbm>> -> memref<8192xi32, #tpu.memory_space<hbm>>
      tpu.enqueue_dma source(%dma_start3A_570 : memref<8192xi32, #tpu.memory_space<hbm>>) target(%arg6 : memref<8192xi32, #tpu.memory_space<vmem>>) target_semaphore(%run_scoped3A : memref<!tpu.dma_semaphore, #tpu.memory_space<semaphore_mem>>)
      %dma_wait3A_571 = arith.constant 8192 : i32
      %dma_wait3A_572 = tpu.memref_slice %arg3[%select_n3A_337, %dma_wait3A_571] : memref<26x16384xi32, #tpu.memory_space<hbm>> -> memref<1x8192xi32, #tpu.memory_space<hbm>>
      %dma_wait3A_573 = tpu.memref_squeeze %dma_wait3A_572 : memref<1x8192xi32, #tpu.memory_space<hbm>> -> memref<8192xi32, #tpu.memory_space<hbm>>
      %dma_wait3A_574 = arith.constant 8192 : i32
      %dma_wait3A_575 = tpu.memref_slice %arg3[%select_n3A_337, %dma_wait3A_574] : memref<26x16384xi32, #tpu.memory_space<hbm>> -> memref<1x8192xi32, #tpu.memory_space<hbm>>
      %dma_wait3A_576 = tpu.memref_squeeze %dma_wait3A_575 : memref<1x8192xi32, #tpu.memory_space<hbm>> -> memref<8192xi32, #tpu.memory_space<hbm>>
      tpu.wait_dma2 semaphore(%run_scoped3A : memref<!tpu.dma_semaphore, #tpu.memory_space<semaphore_mem>>) src(%dma_wait3A_576 : memref<8192xi32, #tpu.memory_space<hbm>>) dst(%arg6 : memref<8192xi32, #tpu.memory_space<vmem>>)
      tpu.yield
    }) : () -> ()
    %dma_wait3A_381 = arith.constant 8192 : i32
    %dma_wait3A_382 = tpu.memref_slice %arg4[%add3A_229, %dma_wait3A_381] : memref<208x16384xf32, #tpu.memory_space<hbm>> -> memref<1x8192xf32, #tpu.memory_space<hbm>>
    %dma_wait3A_383 = tpu.memref_squeeze %dma_wait3A_382 : memref<1x8192xf32, #tpu.memory_space<hbm>> -> memref<8192xf32, #tpu.memory_space<hbm>>
    %dma_wait3A_384 = arith.constant 8192 : i32
    %dma_wait3A_385 = tpu.memref_slice %arg4[%add3A_229, %dma_wait3A_384] : memref<208x16384xf32, #tpu.memory_space<hbm>> -> memref<1x8192xf32, #tpu.memory_space<hbm>>
    %dma_wait3A_386 = tpu.memref_squeeze %dma_wait3A_385 : memref<1x8192xf32, #tpu.memory_space<hbm>> -> memref<8192xf32, #tpu.memory_space<hbm>>
    tpu.wait_dma2 semaphore(%arg11 : memref<!tpu.dma_semaphore, #tpu.memory_space<semaphore_mem>>) src(%arg8 : memref<8192xf32, #tpu.memory_space<vmem>>) dst(%dma_wait3A_386 : memref<8192xf32, #tpu.memory_space<hbm>>)
    %parallel_loop3A_387 = arith.constant 0 : i32
    %parallel_loop3A_388 = arith.constant 512 : i32
    %parallel_loop3A_389 = arith.constant 1 : i32
    scf.for %parallel_loop3A_565 = %parallel_loop3A_387 to %parallel_loop3A_388 step %parallel_loop3A_389  : i32 {
      %parallel_loop3A_566 = arith.constant 16 : i32
      %parallel_loop3A_567 = arith.muli %parallel_loop3A_565, %parallel_loop3A_566 : i32
      %parallel_loop3A_568 = arith.index_cast %parallel_loop3A_567 : i32 to index
      %parallel_loop3A_569 = tpu.vector_load %arg6[%parallel_loop3A_568] {strides = array<i32>} : memref<8192xi32, #tpu.memory_space<vmem>>, vector<16xi32>,
      %parallel_loop3A_570 = tpu.vector_load_idx %arg5[%parallel_loop3A_569] : memref<100000xf32, #tpu.memory_space<vmem>>[vector<16xi32>], vector<16xf32>,
      %parallel_loop3A_571 = arith.index_cast %parallel_loop3A_567 : i32 to index
      %parallel_loop3A_572 = tpu.vector_load %arg8[%parallel_loop3A_571] {strides = array<i32>} : memref<8192xf32, #tpu.memory_space<vmem>>, vector<16xf32>,
      tpu.vector_store %arg8[%parallel_loop3A_571], %parallel_loop3A_570 {strides = array<i32>} : memref<8192xf32, #tpu.memory_space<vmem>>, vector<16xf32>,
    } {sc.loop_unroll_factor = 8 : i64, sc.parallel_access}
    %dma_start3A_390 = arith.constant 8192 : i32
    %dma_start3A_391 = tpu.memref_slice %arg4[%add3A_313, %dma_start3A_390] : memref<208x16384xf32, #tpu.memory_space<hbm>> -> memref<1x8192xf32, #tpu.memory_space<hbm>>
    %dma_start3A_392 = tpu.memref_squeeze %dma_start3A_391 : memref<1x8192xf32, #tpu.memory_space<hbm>> -> memref<8192xf32, #tpu.memory_space<hbm>>
    %dma_start3A_393 = arith.constant 8192 : i32
    %dma_start3A_394 = tpu.memref_slice %arg4[%add3A_313, %dma_start3A_393] : memref<208x16384xf32, #tpu.memory_space<hbm>> -> memref<1x8192xf32, #tpu.memory_space<hbm>>
    %dma_start3A_395 = tpu.memref_squeeze %dma_start3A_394 : memref<1x8192xf32, #tpu.memory_space<hbm>> -> memref<8192xf32, #tpu.memory_space<hbm>>
    tpu.enqueue_dma source(%arg8 : memref<8192xf32, #tpu.memory_space<vmem>>) target(%dma_start3A_395 : memref<8192xf32, #tpu.memory_space<hbm>>) target_semaphore(%arg11 : memref<!tpu.dma_semaphore, #tpu.memory_space<semaphore_mem>>)
    %add3A_396 = arith.constant 160 : i32
    %add3A_397 = arith.addi %add3A_396, %add3A : i32
    %jit3A_398 = arith.constant 8 : i32
    %div3A_399 = arith.divsi %add3A_397, %jit3A_398 : i32
    %sign3A_400 = arith.constant 0 : i32
    %sign3A_401 = arith.cmpi sgt, %add3A_397, %sign3A_400 : i32
    %sign3A_402 = arith.extui %sign3A_401 : i1 to i32
    %sign3A_403 = arith.constant 0 : i32
    %sign3A_404 = arith.cmpi slt, %add3A_397, %sign3A_403 : i32
    %sign3A_405 = arith.extui %sign3A_404 : i1 to i32
    %sign3A_406 = arith.subi %sign3A_402, %sign3A_405 : i32
    %sign3A_407 = arith.constant 0 : i32
    %sign3A_408 = arith.cmpi sgt, %jit3A_398, %sign3A_407 : i32
    %sign3A_409 = arith.extui %sign3A_408 : i1 to i32
    %sign3A_410 = arith.constant 0 : i32
    %sign3A_411 = arith.cmpi slt, %jit3A_398, %sign3A_410 : i32
    %sign3A_412 = arith.extui %sign3A_411 : i1 to i32
    %sign3A_413 = arith.subi %sign3A_409, %sign3A_412 : i32
    %ne3A_414 = arith.cmpi ne, %sign3A_406, %sign3A_413 : i32
    %rem3A_415 = arith.remsi %add3A_397, %jit3A_398 : i32
    %ne3A_416 = arith.constant 0 : i32
    %ne3A_417 = arith.cmpi ne, %rem3A_415, %ne3A_416 : i32
    %and3A_418 = arith.andi %ne3A_414, %ne3A_417 : i1
    %sub3A_419 = arith.constant 1 : i32
    %sub3A_420 = arith.subi %div3A_399, %sub3A_419 : i32
    %select_n3A_421 = arith.select %and3A_418, %sub3A_420, %div3A_399 : i32
    %jit3A_422 = arith.constant 8 : i32
    %eq3A_423 = arith.constant 0 : i32
    %eq3A_424 = arith.cmpi eq, %jit3A_422, %eq3A_423 : i32
    %jit3A_425 = arith.constant 1 : i32
    %select_n3A_426 = arith.select %eq3A_424, %jit3A_425, %jit3A_422 : i32
    %rem3A_427 = arith.remsi %add3A_397, %select_n3A_426 : i32
    %ne3A_428 = arith.constant 0 : i32
    %ne3A_429 = arith.cmpi ne, %rem3A_427, %ne3A_428 : i32
    %lt3A_430 = arith.constant 0 : i32
    %lt3A_431 = arith.cmpi slt, %rem3A_427, %lt3A_430 : i32
    %lt3A_432 = arith.constant 0 : i32
    %lt3A_433 = arith.cmpi slt, %select_n3A_426, %lt3A_432 : i32
    %ne3A_434 = arith.xori %lt3A_431, %lt3A_433 : i1
    %and3A_435 = arith.andi %ne3A_434, %ne3A_429 : i1
    %add3A_436 = arith.addi %rem3A_427, %select_n3A_426 : i32
    %select_n3A_437 = arith.select %and3A_435, %add3A_436, %rem3A_427 : i32
    %dma_start3A_438 = arith.constant 0 : i32
    %dma_start3A_439 = tpu.memref_slice %arg2[%select_n3A_421, %select_n3A_437, %dma_start3A_438] : memref<26x8x100000xf32, #tpu.memory_space<hbm>> -> memref<1x1x100000xf32, #tpu.memory_space<hbm>>
    %dma_start3A_440 = tpu.memref_squeeze %dma_start3A_439 : memref<1x1x100000xf32, #tpu.memory_space<hbm>> -> memref<100000xf32, #tpu.memory_space<hbm>>
    %dma_start3A_441 = arith.constant 0 : i32
    %dma_start3A_442 = tpu.memref_slice %arg2[%select_n3A_421, %select_n3A_437, %dma_start3A_441] : memref<26x8x100000xf32, #tpu.memory_space<hbm>> -> memref<1x1x100000xf32, #tpu.memory_space<hbm>>
    %dma_start3A_443 = tpu.memref_squeeze %dma_start3A_442 : memref<1x1x100000xf32, #tpu.memory_space<hbm>> -> memref<100000xf32, #tpu.memory_space<hbm>>
    tpu.enqueue_dma source(%dma_start3A_443 : memref<100000xf32, #tpu.memory_space<hbm>>) target(%arg5 : memref<100000xf32, #tpu.memory_space<vmem>>) target_semaphore(%arg9 : memref<!tpu.dma_semaphore, #tpu.memory_space<semaphore_mem>>)
    "tpu.region"() ({
      %run_scoped3A = tpu.sem_alloc : memref<!tpu.dma_semaphore, #tpu.memory_space<semaphore_mem>>
      %dma_start3A_565 = arith.constant 0 : i32
      %dma_start3A_566 = tpu.memref_slice %arg3[%select_n3A_421, %dma_start3A_565] : memref<26x16384xi32, #tpu.memory_space<hbm>> -> memref<1x8192xi32, #tpu.memory_space<hbm>>
      %dma_start3A_567 = tpu.memref_squeeze %dma_start3A_566 : memref<1x8192xi32, #tpu.memory_space<hbm>> -> memref<8192xi32, #tpu.memory_space<hbm>>
      %dma_start3A_568 = arith.constant 0 : i32
      %dma_start3A_569 = tpu.memref_slice %arg3[%select_n3A_421, %dma_start3A_568] : memref<26x16384xi32, #tpu.memory_space<hbm>> -> memref<1x8192xi32, #tpu.memory_space<hbm>>
      %dma_start3A_570 = tpu.memref_squeeze %dma_start3A_569 : memref<1x8192xi32, #tpu.memory_space<hbm>> -> memref<8192xi32, #tpu.memory_space<hbm>>
      tpu.enqueue_dma source(%dma_start3A_570 : memref<8192xi32, #tpu.memory_space<hbm>>) target(%arg6 : memref<8192xi32, #tpu.memory_space<vmem>>) target_semaphore(%run_scoped3A : memref<!tpu.dma_semaphore, #tpu.memory_space<semaphore_mem>>)
      %dma_wait3A_571 = arith.constant 0 : i32
      %dma_wait3A_572 = tpu.memref_slice %arg3[%select_n3A_421, %dma_wait3A_571] : memref<26x16384xi32, #tpu.memory_space<hbm>> -> memref<1x8192xi32, #tpu.memory_space<hbm>>
      %dma_wait3A_573 = tpu.memref_squeeze %dma_wait3A_572 : memref<1x8192xi32, #tpu.memory_space<hbm>> -> memref<8192xi32, #tpu.memory_space<hbm>>
      %dma_wait3A_574 = arith.constant 0 : i32
      %dma_wait3A_575 = tpu.memref_slice %arg3[%select_n3A_421, %dma_wait3A_574] : memref<26x16384xi32, #tpu.memory_space<hbm>> -> memref<1x8192xi32, #tpu.memory_space<hbm>>
      %dma_wait3A_576 = tpu.memref_squeeze %dma_wait3A_575 : memref<1x8192xi32, #tpu.memory_space<hbm>> -> memref<8192xi32, #tpu.memory_space<hbm>>
      tpu.wait_dma2 semaphore(%run_scoped3A : memref<!tpu.dma_semaphore, #tpu.memory_space<semaphore_mem>>) src(%dma_wait3A_576 : memref<8192xi32, #tpu.memory_space<hbm>>) dst(%arg6 : memref<8192xi32, #tpu.memory_space<vmem>>)
      tpu.yield
    }) : () -> ()
    %dma_wait3A_444 = arith.constant 0 : i32
    %dma_wait3A_445 = tpu.memref_slice %arg2[%select_n3A_421, %select_n3A_437, %dma_wait3A_444] : memref<26x8x100000xf32, #tpu.memory_space<hbm>> -> memref<1x1x100000xf32, #tpu.memory_space<hbm>>
    %dma_wait3A_446 = tpu.memref_squeeze %dma_wait3A_445 : memref<1x1x100000xf32, #tpu.memory_space<hbm>> -> memref<100000xf32, #tpu.memory_space<hbm>>
    %dma_wait3A_447 = arith.constant 0 : i32
    %dma_wait3A_448 = tpu.memref_slice %arg2[%select_n3A_421, %select_n3A_437, %dma_wait3A_447] : memref<26x8x100000xf32, #tpu.memory_space<hbm>> -> memref<1x1x100000xf32, #tpu.memory_space<hbm>>
    %dma_wait3A_449 = tpu.memref_squeeze %dma_wait3A_448 : memref<1x1x100000xf32, #tpu.memory_space<hbm>> -> memref<100000xf32, #tpu.memory_space<hbm>>
    tpu.wait_dma2 semaphore(%arg9 : memref<!tpu.dma_semaphore, #tpu.memory_space<semaphore_mem>>) src(%dma_wait3A_449 : memref<100000xf32, #tpu.memory_space<hbm>>) dst(%arg5 : memref<100000xf32, #tpu.memory_space<vmem>>)
    %dma_wait3A_450 = arith.constant 0 : i32
    %dma_wait3A_451 = tpu.memref_slice %arg4[%add3A_313, %dma_wait3A_450] : memref<208x16384xf32, #tpu.memory_space<hbm>> -> memref<1x8192xf32, #tpu.memory_space<hbm>>
    %dma_wait3A_452 = tpu.memref_squeeze %dma_wait3A_451 : memref<1x8192xf32, #tpu.memory_space<hbm>> -> memref<8192xf32, #tpu.memory_space<hbm>>
    %dma_wait3A_453 = arith.constant 0 : i32
    %dma_wait3A_454 = tpu.memref_slice %arg4[%add3A_313, %dma_wait3A_453] : memref<208x16384xf32, #tpu.memory_space<hbm>> -> memref<1x8192xf32, #tpu.memory_space<hbm>>
    %dma_wait3A_455 = tpu.memref_squeeze %dma_wait3A_454 : memref<1x8192xf32, #tpu.memory_space<hbm>> -> memref<8192xf32, #tpu.memory_space<hbm>>
    tpu.wait_dma2 semaphore(%arg10 : memref<!tpu.dma_semaphore, #tpu.memory_space<semaphore_mem>>) src(%arg7 : memref<8192xf32, #tpu.memory_space<vmem>>) dst(%dma_wait3A_455 : memref<8192xf32, #tpu.memory_space<hbm>>)
    %parallel_loop3A_456 = arith.constant 0 : i32
    %parallel_loop3A_457 = arith.constant 512 : i32
    %parallel_loop3A_458 = arith.constant 1 : i32
    scf.for %parallel_loop3A_565 = %parallel_loop3A_456 to %parallel_loop3A_457 step %parallel_loop3A_458  : i32 {
      %parallel_loop3A_566 = arith.constant 16 : i32
      %parallel_loop3A_567 = arith.muli %parallel_loop3A_565, %parallel_loop3A_566 : i32
      %parallel_loop3A_568 = arith.index_cast %parallel_loop3A_567 : i32 to index
      %parallel_loop3A_569 = tpu.vector_load %arg6[%parallel_loop3A_568] {strides = array<i32>} : memref<8192xi32, #tpu.memory_space<vmem>>, vector<16xi32>,
      %parallel_loop3A_570 = tpu.vector_load_idx %arg5[%parallel_loop3A_569] : memref<100000xf32, #tpu.memory_space<vmem>>[vector<16xi32>], vector<16xf32>,
      %parallel_loop3A_571 = arith.index_cast %parallel_loop3A_567 : i32 to index
      %parallel_loop3A_572 = tpu.vector_load %arg7[%parallel_loop3A_571] {strides = array<i32>} : memref<8192xf32, #tpu.memory_space<vmem>>, vector<16xf32>,
      tpu.vector_store %arg7[%parallel_loop3A_571], %parallel_loop3A_570 {strides = array<i32>} : memref<8192xf32, #tpu.memory_space<vmem>>, vector<16xf32>,
    } {sc.loop_unroll_factor = 8 : i64, sc.parallel_access}
    %dma_start3A_459 = arith.constant 0 : i32
    %dma_start3A_460 = tpu.memref_slice %arg4[%add3A_397, %dma_start3A_459] : memref<208x16384xf32, #tpu.memory_space<hbm>> -> memref<1x8192xf32, #tpu.memory_space<hbm>>
    %dma_start3A_461 = tpu.memref_squeeze %dma_start3A_460 : memref<1x8192xf32, #tpu.memory_space<hbm>> -> memref<8192xf32, #tpu.memory_space<hbm>>
    %dma_start3A_462 = arith.constant 0 : i32
    %dma_start3A_463 = tpu.memref_slice %arg4[%add3A_397, %dma_start3A_462] : memref<208x16384xf32, #tpu.memory_space<hbm>> -> memref<1x8192xf32, #tpu.memory_space<hbm>>
    %dma_start3A_464 = tpu.memref_squeeze %dma_start3A_463 : memref<1x8192xf32, #tpu.memory_space<hbm>> -> memref<8192xf32, #tpu.memory_space<hbm>>
    tpu.enqueue_dma source(%arg7 : memref<8192xf32, #tpu.memory_space<vmem>>) target(%dma_start3A_464 : memref<8192xf32, #tpu.memory_space<hbm>>) target_semaphore(%arg10 : memref<!tpu.dma_semaphore, #tpu.memory_space<semaphore_mem>>)
    "tpu.region"() ({
      %run_scoped3A = tpu.sem_alloc : memref<!tpu.dma_semaphore, #tpu.memory_space<semaphore_mem>>
      %dma_start3A_565 = arith.constant 8192 : i32
      %dma_start3A_566 = tpu.memref_slice %arg3[%select_n3A_421, %dma_start3A_565] : memref<26x16384xi32, #tpu.memory_space<hbm>> -> memref<1x8192xi32, #tpu.memory_space<hbm>>
      %dma_start3A_567 = tpu.memref_squeeze %dma_start3A_566 : memref<1x8192xi32, #tpu.memory_space<hbm>> -> memref<8192xi32, #tpu.memory_space<hbm>>
      %dma_start3A_568 = arith.constant 8192 : i32
      %dma_start3A_569 = tpu.memref_slice %arg3[%select_n3A_421, %dma_start3A_568] : memref<26x16384xi32, #tpu.memory_space<hbm>> -> memref<1x8192xi32, #tpu.memory_space<hbm>>
      %dma_start3A_570 = tpu.memref_squeeze %dma_start3A_569 : memref<1x8192xi32, #tpu.memory_space<hbm>> -> memref<8192xi32, #tpu.memory_space<hbm>>
      tpu.enqueue_dma source(%dma_start3A_570 : memref<8192xi32, #tpu.memory_space<hbm>>) target(%arg6 : memref<8192xi32, #tpu.memory_space<vmem>>) target_semaphore(%run_scoped3A : memref<!tpu.dma_semaphore, #tpu.memory_space<semaphore_mem>>)
      %dma_wait3A_571 = arith.constant 8192 : i32
      %dma_wait3A_572 = tpu.memref_slice %arg3[%select_n3A_421, %dma_wait3A_571] : memref<26x16384xi32, #tpu.memory_space<hbm>> -> memref<1x8192xi32, #tpu.memory_space<hbm>>
      %dma_wait3A_573 = tpu.memref_squeeze %dma_wait3A_572 : memref<1x8192xi32, #tpu.memory_space<hbm>> -> memref<8192xi32, #tpu.memory_space<hbm>>
      %dma_wait3A_574 = arith.constant 8192 : i32
      %dma_wait3A_575 = tpu.memref_slice %arg3[%select_n3A_421, %dma_wait3A_574] : memref<26x16384xi32, #tpu.memory_space<hbm>> -> memref<1x8192xi32, #tpu.memory_space<hbm>>
      %dma_wait3A_576 = tpu.memref_squeeze %dma_wait3A_575 : memref<1x8192xi32, #tpu.memory_space<hbm>> -> memref<8192xi32, #tpu.memory_space<hbm>>
      tpu.wait_dma2 semaphore(%run_scoped3A : memref<!tpu.dma_semaphore, #tpu.memory_space<semaphore_mem>>) src(%dma_wait3A_576 : memref<8192xi32, #tpu.memory_space<hbm>>) dst(%arg6 : memref<8192xi32, #tpu.memory_space<vmem>>)
      tpu.yield
    }) : () -> ()
    %dma_wait3A_465 = arith.constant 8192 : i32
    %dma_wait3A_466 = tpu.memref_slice %arg4[%add3A_313, %dma_wait3A_465] : memref<208x16384xf32, #tpu.memory_space<hbm>> -> memref<1x8192xf32, #tpu.memory_space<hbm>>
    %dma_wait3A_467 = tpu.memref_squeeze %dma_wait3A_466 : memref<1x8192xf32, #tpu.memory_space<hbm>> -> memref<8192xf32, #tpu.memory_space<hbm>>
    %dma_wait3A_468 = arith.constant 8192 : i32
    %dma_wait3A_469 = tpu.memref_slice %arg4[%add3A_313, %dma_wait3A_468] : memref<208x16384xf32, #tpu.memory_space<hbm>> -> memref<1x8192xf32, #tpu.memory_space<hbm>>
    %dma_wait3A_470 = tpu.memref_squeeze %dma_wait3A_469 : memref<1x8192xf32, #tpu.memory_space<hbm>> -> memref<8192xf32, #tpu.memory_space<hbm>>
    tpu.wait_dma2 semaphore(%arg11 : memref<!tpu.dma_semaphore, #tpu.memory_space<semaphore_mem>>) src(%arg8 : memref<8192xf32, #tpu.memory_space<vmem>>) dst(%dma_wait3A_470 : memref<8192xf32, #tpu.memory_space<hbm>>)
    %parallel_loop3A_471 = arith.constant 0 : i32
    %parallel_loop3A_472 = arith.constant 512 : i32
    %parallel_loop3A_473 = arith.constant 1 : i32
    scf.for %parallel_loop3A_565 = %parallel_loop3A_471 to %parallel_loop3A_472 step %parallel_loop3A_473  : i32 {
      %parallel_loop3A_566 = arith.constant 16 : i32
      %parallel_loop3A_567 = arith.muli %parallel_loop3A_565, %parallel_loop3A_566 : i32
      %parallel_loop3A_568 = arith.index_cast %parallel_loop3A_567 : i32 to index
      %parallel_loop3A_569 = tpu.vector_load %arg6[%parallel_loop3A_568] {strides = array<i32>} : memref<8192xi32, #tpu.memory_space<vmem>>, vector<16xi32>,
      %parallel_loop3A_570 = tpu.vector_load_idx %arg5[%parallel_loop3A_569] : memref<100000xf32, #tpu.memory_space<vmem>>[vector<16xi32>], vector<16xf32>,
      %parallel_loop3A_571 = arith.index_cast %parallel_loop3A_567 : i32 to index
      %parallel_loop3A_572 = tpu.vector_load %arg8[%parallel_loop3A_571] {strides = array<i32>} : memref<8192xf32, #tpu.memory_space<vmem>>, vector<16xf32>,
      tpu.vector_store %arg8[%parallel_loop3A_571], %parallel_loop3A_570 {strides = array<i32>} : memref<8192xf32, #tpu.memory_space<vmem>>, vector<16xf32>,
    } {sc.loop_unroll_factor = 8 : i64, sc.parallel_access}
    %dma_start3A_474 = arith.constant 8192 : i32
    %dma_start3A_475 = tpu.memref_slice %arg4[%add3A_397, %dma_start3A_474] : memref<208x16384xf32, #tpu.memory_space<hbm>> -> memref<1x8192xf32, #tpu.memory_space<hbm>>
    %dma_start3A_476 = tpu.memref_squeeze %dma_start3A_475 : memref<1x8192xf32, #tpu.memory_space<hbm>> -> memref<8192xf32, #tpu.memory_space<hbm>>
    %dma_start3A_477 = arith.constant 8192 : i32
    %dma_start3A_478 = tpu.memref_slice %arg4[%add3A_397, %dma_start3A_477] : memref<208x16384xf32, #tpu.memory_space<hbm>> -> memref<1x8192xf32, #tpu.memory_space<hbm>>
    %dma_start3A_479 = tpu.memref_squeeze %dma_start3A_478 : memref<1x8192xf32, #tpu.memory_space<hbm>> -> memref<8192xf32, #tpu.memory_space<hbm>>
    tpu.enqueue_dma source(%arg8 : memref<8192xf32, #tpu.memory_space<vmem>>) target(%dma_start3A_479 : memref<8192xf32, #tpu.memory_space<hbm>>) target_semaphore(%arg11 : memref<!tpu.dma_semaphore, #tpu.memory_space<semaphore_mem>>)
    %rem3A_480 = arith.constant 16 : i32
    %rem3A_481 = arith.remsi %add3A, %rem3A_480 : i32
    %add3A_482 = arith.constant 192 : i32
    %add3A_483 = arith.addi %add3A_482, %rem3A_481 : i32
    %div3A_484 = arith.constant 16 : i32
    %div3A_485 = arith.divsi %add3A, %div3A_484 : i32
    %jit3A_486 = arith.constant 8 : i32
    %div3A_487 = arith.divsi %add3A_483, %jit3A_486 : i32
    %sign3A_488 = arith.constant 0 : i32
    %sign3A_489 = arith.cmpi sgt, %add3A_483, %sign3A_488 : i32
    %sign3A_490 = arith.extui %sign3A_489 : i1 to i32
    %sign3A_491 = arith.constant 0 : i32
    %sign3A_492 = arith.cmpi slt, %add3A_483, %sign3A_491 : i32
    %sign3A_493 = arith.extui %sign3A_492 : i1 to i32
    %sign3A_494 = arith.subi %sign3A_490, %sign3A_493 : i32
    %sign3A_495 = arith.constant 0 : i32
    %sign3A_496 = arith.cmpi sgt, %jit3A_486, %sign3A_495 : i32
    %sign3A_497 = arith.extui %sign3A_496 : i1 to i32
    %sign3A_498 = arith.constant 0 : i32
    %sign3A_499 = arith.cmpi slt, %jit3A_486, %sign3A_498 : i32
    %sign3A_500 = arith.extui %sign3A_499 : i1 to i32
    %sign3A_501 = arith.subi %sign3A_497, %sign3A_500 : i32
    %ne3A_502 = arith.cmpi ne, %sign3A_494, %sign3A_501 : i32
    %rem3A_503 = arith.remsi %add3A_483, %jit3A_486 : i32
    %ne3A_504 = arith.constant 0 : i32
    %ne3A_505 = arith.cmpi ne, %rem3A_503, %ne3A_504 : i32
    %and3A_506 = arith.andi %ne3A_502, %ne3A_505 : i1
    %sub3A_507 = arith.constant 1 : i32
    %sub3A_508 = arith.subi %div3A_487, %sub3A_507 : i32
    %select_n3A_509 = arith.select %and3A_506, %sub3A_508, %div3A_487 : i32
    %jit3A_510 = arith.constant 8 : i32
    %eq3A_511 = arith.constant 0 : i32
    %eq3A_512 = arith.cmpi eq, %jit3A_510, %eq3A_511 : i32
    %jit3A_513 = arith.constant 1 : i32
    %select_n3A_514 = arith.select %eq3A_512, %jit3A_513, %jit3A_510 : i32
    %rem3A_515 = arith.remsi %add3A_483, %select_n3A_514 : i32
    %ne3A_516 = arith.constant 0 : i32
    %ne3A_517 = arith.cmpi ne, %rem3A_515, %ne3A_516 : i32
    %lt3A_518 = arith.constant 0 : i32
    %lt3A_519 = arith.cmpi slt, %rem3A_515, %lt3A_518 : i32
    %lt3A_520 = arith.constant 0 : i32
    %lt3A_521 = arith.cmpi slt, %select_n3A_514, %lt3A_520 : i32
    %ne3A_522 = arith.xori %lt3A_519, %lt3A_521 : i1
    %and3A_523 = arith.andi %ne3A_522, %ne3A_517 : i1
    %add3A_524 = arith.addi %rem3A_515, %select_n3A_514 : i32
    %select_n3A_525 = arith.select %and3A_523, %add3A_524, %rem3A_515 : i32
    %dma_start3A_526 = arith.constant 0 : i32
    %dma_start3A_527 = tpu.memref_slice %arg2[%select_n3A_509, %select_n3A_525, %dma_start3A_526] : memref<26x8x100000xf32, #tpu.memory_space<hbm>> -> memref<1x1x100000xf32, #tpu.memory_space<hbm>>
    %dma_start3A_528 = tpu.memref_squeeze %dma_start3A_527 : memref<1x1x100000xf32, #tpu.memory_space<hbm>> -> memref<100000xf32, #tpu.memory_space<hbm>>
    %dma_start3A_529 = arith.constant 0 : i32
    %dma_start3A_530 = tpu.memref_slice %arg2[%select_n3A_509, %select_n3A_525, %dma_start3A_529] : memref<26x8x100000xf32, #tpu.memory_space<hbm>> -> memref<1x1x100000xf32, #tpu.memory_space<hbm>>
    %dma_start3A_531 = tpu.memref_squeeze %dma_start3A_530 : memref<1x1x100000xf32, #tpu.memory_space<hbm>> -> memref<100000xf32, #tpu.memory_space<hbm>>
    tpu.enqueue_dma source(%dma_start3A_531 : memref<100000xf32, #tpu.memory_space<hbm>>) target(%arg5 : memref<100000xf32, #tpu.memory_space<vmem>>) target_semaphore(%arg9 : memref<!tpu.dma_semaphore, #tpu.memory_space<semaphore_mem>>)
    %mul3A_532 = arith.constant 8192 : i32
    %mul3A_533 = arith.muli %div3A_485, %mul3A_532 : i32
    "tpu.region"() ({
      %run_scoped3A = tpu.sem_alloc : memref<!tpu.dma_semaphore, #tpu.memory_space<semaphore_mem>>
      %dma_start3A_565 = tpu.memref_slice %arg3[%select_n3A_509, %mul3A_533] : memref<26x16384xi32, #tpu.memory_space<hbm>> -> memref<1x8192xi32, #tpu.memory_space<hbm>>
      %dma_start3A_566 = tpu.memref_squeeze %dma_start3A_565 : memref<1x8192xi32, #tpu.memory_space<hbm>> -> memref<8192xi32, #tpu.memory_space<hbm>>
      %dma_start3A_567 = tpu.memref_slice %arg3[%select_n3A_509, %mul3A_533] : memref<26x16384xi32, #tpu.memory_space<hbm>> -> memref<1x8192xi32, #tpu.memory_space<hbm>>
      %dma_start3A_568 = tpu.memref_squeeze %dma_start3A_567 : memref<1x8192xi32, #tpu.memory_space<hbm>> -> memref<8192xi32, #tpu.memory_space<hbm>>
      tpu.enqueue_dma source(%dma_start3A_568 : memref<8192xi32, #tpu.memory_space<hbm>>) target(%arg6 : memref<8192xi32, #tpu.memory_space<vmem>>) target_semaphore(%run_scoped3A : memref<!tpu.dma_semaphore, #tpu.memory_space<semaphore_mem>>)
      %dma_wait3A_569 = tpu.memref_slice %arg3[%select_n3A_509, %mul3A_533] : memref<26x16384xi32, #tpu.memory_space<hbm>> -> memref<1x8192xi32, #tpu.memory_space<hbm>>
      %dma_wait3A_570 = tpu.memref_squeeze %dma_wait3A_569 : memref<1x8192xi32, #tpu.memory_space<hbm>> -> memref<8192xi32, #tpu.memory_space<hbm>>
      %dma_wait3A_571 = tpu.memref_slice %arg3[%select_n3A_509, %mul3A_533] : memref<26x16384xi32, #tpu.memory_space<hbm>> -> memref<1x8192xi32, #tpu.memory_space<hbm>>
      %dma_wait3A_572 = tpu.memref_squeeze %dma_wait3A_571 : memref<1x8192xi32, #tpu.memory_space<hbm>> -> memref<8192xi32, #tpu.memory_space<hbm>>
      tpu.wait_dma2 semaphore(%run_scoped3A : memref<!tpu.dma_semaphore, #tpu.memory_space<semaphore_mem>>) src(%dma_wait3A_572 : memref<8192xi32, #tpu.memory_space<hbm>>) dst(%arg6 : memref<8192xi32, #tpu.memory_space<vmem>>)
      tpu.yield
    }) : () -> ()
    %dma_wait3A_534 = arith.constant 0 : i32
    %dma_wait3A_535 = tpu.memref_slice %arg2[%select_n3A_509, %select_n3A_525, %dma_wait3A_534] : memref<26x8x100000xf32, #tpu.memory_space<hbm>> -> memref<1x1x100000xf32, #tpu.memory_space<hbm>>
    %dma_wait3A_536 = tpu.memref_squeeze %dma_wait3A_535 : memref<1x1x100000xf32, #tpu.memory_space<hbm>> -> memref<100000xf32, #tpu.memory_space<hbm>>
    %dma_wait3A_537 = arith.constant 0 : i32
    %dma_wait3A_538 = tpu.memref_slice %arg2[%select_n3A_509, %select_n3A_525, %dma_wait3A_537] : memref<26x8x100000xf32, #tpu.memory_space<hbm>> -> memref<1x1x100000xf32, #tpu.memory_space<hbm>>
    %dma_wait3A_539 = tpu.memref_squeeze %dma_wait3A_538 : memref<1x1x100000xf32, #tpu.memory_space<hbm>> -> memref<100000xf32, #tpu.memory_space<hbm>>
    tpu.wait_dma2 semaphore(%arg9 : memref<!tpu.dma_semaphore, #tpu.memory_space<semaphore_mem>>) src(%dma_wait3A_539 : memref<100000xf32, #tpu.memory_space<hbm>>) dst(%arg5 : memref<100000xf32, #tpu.memory_space<vmem>>)
    %dma_wait3A_540 = arith.constant 0 : i32
    %dma_wait3A_541 = tpu.memref_slice %arg4[%add3A_397, %dma_wait3A_540] : memref<208x16384xf32, #tpu.memory_space<hbm>> -> memref<1x8192xf32, #tpu.memory_space<hbm>>
    %dma_wait3A_542 = tpu.memref_squeeze %dma_wait3A_541 : memref<1x8192xf32, #tpu.memory_space<hbm>> -> memref<8192xf32, #tpu.memory_space<hbm>>
    %dma_wait3A_543 = arith.constant 0 : i32
    %dma_wait3A_544 = tpu.memref_slice %arg4[%add3A_397, %dma_wait3A_543] : memref<208x16384xf32, #tpu.memory_space<hbm>> -> memref<1x8192xf32, #tpu.memory_space<hbm>>
    %dma_wait3A_545 = tpu.memref_squeeze %dma_wait3A_544 : memref<1x8192xf32, #tpu.memory_space<hbm>> -> memref<8192xf32, #tpu.memory_space<hbm>>
    tpu.wait_dma2 semaphore(%arg10 : memref<!tpu.dma_semaphore, #tpu.memory_space<semaphore_mem>>) src(%arg7 : memref<8192xf32, #tpu.memory_space<vmem>>) dst(%dma_wait3A_545 : memref<8192xf32, #tpu.memory_space<hbm>>)
    %parallel_loop3A_546 = arith.constant 0 : i32
    %parallel_loop3A_547 = arith.constant 512 : i32
    %parallel_loop3A_548 = arith.constant 1 : i32
    scf.for %parallel_loop3A_565 = %parallel_loop3A_546 to %parallel_loop3A_547 step %parallel_loop3A_548  : i32 {
      %parallel_loop3A_566 = arith.constant 16 : i32
      %parallel_loop3A_567 = arith.muli %parallel_loop3A_565, %parallel_loop3A_566 : i32
      %parallel_loop3A_568 = arith.index_cast %parallel_loop3A_567 : i32 to index
      %parallel_loop3A_569 = tpu.vector_load %arg6[%parallel_loop3A_568] {strides = array<i32>} : memref<8192xi32, #tpu.memory_space<vmem>>, vector<16xi32>,
      %parallel_loop3A_570 = tpu.vector_load_idx %arg5[%parallel_loop3A_569] : memref<100000xf32, #tpu.memory_space<vmem>>[vector<16xi32>], vector<16xf32>,
      %parallel_loop3A_571 = arith.index_cast %parallel_loop3A_567 : i32 to index
      %parallel_loop3A_572 = tpu.vector_load %arg7[%parallel_loop3A_571] {strides = array<i32>} : memref<8192xf32, #tpu.memory_space<vmem>>, vector<16xf32>,
      tpu.vector_store %arg7[%parallel_loop3A_571], %parallel_loop3A_570 {strides = array<i32>} : memref<8192xf32, #tpu.memory_space<vmem>>, vector<16xf32>,
    } {sc.loop_unroll_factor = 8 : i64, sc.parallel_access}
    %mul3A_549 = arith.constant 8192 : i32
    %mul3A_550 = arith.muli %div3A_485, %mul3A_549 : i32
    %dma_start3A_551 = tpu.memref_slice %arg4[%add3A_483, %mul3A_550] : memref<208x16384xf32, #tpu.memory_space<hbm>> -> memref<1x8192xf32, #tpu.memory_space<hbm>>
    %dma_start3A_552 = tpu.memref_squeeze %dma_start3A_551 : memref<1x8192xf32, #tpu.memory_space<hbm>> -> memref<8192xf32, #tpu.memory_space<hbm>>
    %dma_start3A_553 = tpu.memref_slice %arg4[%add3A_483, %mul3A_550] : memref<208x16384xf32, #tpu.memory_space<hbm>> -> memref<1x8192xf32, #tpu.memory_space<hbm>>
    %dma_start3A_554 = tpu.memref_squeeze %dma_start3A_553 : memref<1x8192xf32, #tpu.memory_space<hbm>> -> memref<8192xf32, #tpu.memory_space<hbm>>
    tpu.enqueue_dma source(%arg7 : memref<8192xf32, #tpu.memory_space<vmem>>) target(%dma_start3A_554 : memref<8192xf32, #tpu.memory_space<hbm>>) target_semaphore(%arg10 : memref<!tpu.dma_semaphore, #tpu.memory_space<semaphore_mem>>)
    %dma_wait3A_555 = tpu.memref_slice %arg4[%add3A_483, %mul3A_550] : memref<208x16384xf32, #tpu.memory_space<hbm>> -> memref<1x8192xf32, #tpu.memory_space<hbm>>
    %dma_wait3A_556 = tpu.memref_squeeze %dma_wait3A_555 : memref<1x8192xf32, #tpu.memory_space<hbm>> -> memref<8192xf32, #tpu.memory_space<hbm>>
    %dma_wait3A_557 = tpu.memref_slice %arg4[%add3A_483, %mul3A_550] : memref<208x16384xf32, #tpu.memory_space<hbm>> -> memref<1x8192xf32, #tpu.memory_space<hbm>>
    %dma_wait3A_558 = tpu.memref_squeeze %dma_wait3A_557 : memref<1x8192xf32, #tpu.memory_space<hbm>> -> memref<8192xf32, #tpu.memory_space<hbm>>
    tpu.wait_dma2 semaphore(%arg10 : memref<!tpu.dma_semaphore, #tpu.memory_space<semaphore_mem>>) src(%arg7 : memref<8192xf32, #tpu.memory_space<vmem>>) dst(%dma_wait3A_558 : memref<8192xf32, #tpu.memory_space<hbm>>)
    %dma_wait3A_559 = arith.constant 8192 : i32
    %dma_wait3A_560 = tpu.memref_slice %arg4[%add3A_397, %dma_wait3A_559] : memref<208x16384xf32, #tpu.memory_space<hbm>> -> memref<1x8192xf32, #tpu.memory_space<hbm>>
    %dma_wait3A_561 = tpu.memref_squeeze %dma_wait3A_560 : memref<1x8192xf32, #tpu.memory_space<hbm>> -> memref<8192xf32, #tpu.memory_space<hbm>>
    %dma_wait3A_562 = arith.constant 8192 : i32
    %dma_wait3A_563 = tpu.memref_slice %arg4[%add3A_397, %dma_wait3A_562] : memref<208x16384xf32, #tpu.memory_space<hbm>> -> memref<1x8192xf32, #tpu.memory_space<hbm>>
    %dma_wait3A_564 = tpu.memref_squeeze %dma_wait3A_563 : memref<1x8192xf32, #tpu.memory_space<hbm>> -> memref<8192xf32, #tpu.memory_space<hbm>>
    tpu.wait_dma2 semaphore(%arg11 : memref<!tpu.dma_semaphore, #tpu.memory_space<semaphore_mem>>) src(%arg8 : memref<8192xf32, #tpu.memory_space<vmem>>) dst(%dma_wait3A_564 : memref<8192xf32, #tpu.memory_space<hbm>>)
    return
  }
}

</mosaic_0001>

<sc_bundles>
// kernel: kernel.3.cloned.1.call-start
scs
__scs_entry_jumppad:
0x0: {  	(pc) =	sbr.rel $0x88, $3  }
0x1: {  	(tag) =	ssettag $0x0;
	lr =	simm.s32 $0x1  }
0x2: {  	[smem:$0x3F9F] =	sst lr;
	_ =	strace $0xD0000000  }
0x3: {  	_ = 	snop  }
0x4: {  	_ = 	snop  }
0x5: {  	_ = 	snop  }
0x6: {  	_ = 	snop  }
0x7: {  	_ = 	snop  }
__scs_overlays_trampoline_lowered:
0x8: {  	[smem:$0x3FAE] =	sst s0  }
0x9: {  	[smem:$0x3FAF] =	sst s1  }
0xa: {  	[smem:$0x3FB0] =	sst s2  }
0xb: {  	[smem:$0x3FB1] =	sst s3  }
0xc: {  	[smem:$0x3FB2] =	sst s4  }
0xd: {  	[smem:$0x3FB3] =	sst s5  }
0xe: {  	[smem:$0x3FB4] =	sst s6  }
0xf: {  	[smem:$0x3FB5] =	sst s7  }
0x10: {  	[smem:$0x3FB6] =	sst s8  }
0x11: {  	[smem:$0x3FB7] =	sst s9;
	s0 =	simm.s32 @!p0 $0x0  }
0x12: {  	s1 =	sld [smem:$0x3F9D];
	s0 =	simm.s32 @p0 $0x1  }
0x13: {  	[smem:$0x3FB8] =	sst s0;
	s0 =	simm.s32 @!p1 $0x0  }
0x14: {  	s2 =	sld [smem:$0x3F9C];
	s0 =	simm.s32 @p1 $0x1  }
0x15: {  	[smem:$0x3FB9] =	sst s0;
	s0 =	simm.s32 @!p2 $0x0  }
0x16: {  	s3 =	sld [smem:$0x3FDB];
	s0 =	simm.s32 @p2 $0x1  }
0x17: {  	s4 =	simm.s32 $0x1BF5;
	[smem:$0x3FBB] =	sst s0  }
0x18: {  	s0 =	sld [smem:$0x3F9E];
	_ =	swait.ge [sflag:s4], $0x0  }
0x19: {  	s7 =	sld [smem:$0x3F9F]  }
0x1a: {  	s8 =	sadd.s32 $0xFFFFE003, lr  }
0x1b: {  	s9 =	sadd.s32 $0xFFFFFEF7, lr;
	s5 =	simm.s32 $0xFFFFFFFF;
	p2 =	slt.u32 s8, $0xFFFFF086  }
0x1c: {  	p1 =	slt.u32 s9, $0xF7A;
	s5 =	simm.s32 @!p2 $0x0  }
0x1d: {  	s5 =	simm.s32 @p1 $0x1;
	p0 =	seq.s32 s7, s2  }
0x1e: {  	s7 =	smul.u32 @!p0 $0xF7A, s2;
	p2 =	seq.s32 @!p0 s5, $0x0  }
0x1f: {  	s9 =	smul.u32 $0xF7A, s1;
	s8 =	simm.s32 @!p0 $0x1BF5;
	p2 =	por !p2, p0  }
0x20: {  	[sflag:s8] =	ssyncset.s32 @!p0 $0xFFFFF086;
	s6 =	sadd.s32 @!p0 s3, s7;
	s7 =	simm.s32 @!p0 $0x108  }
0x21: {  	s3 =	sadd.s32 s3, s9;
	s6 =	sadd.s32 @!p0 $0x88, s6;
	s7 =	simm.s32 @p2 $0x1082  }
0x22: {  	[simem:s7], [sflag:s8] =	dma.local @!p0 [hbm:s6], $0xF7A  }
0x23: {  	s9 =	sor.u32 $0xD0000000, s2;
	s6 =	simm.s32 $0x108;
	_ =	swait.ge @!p0 [sflag:s8], $0x0  }
0x24: {  	s3 =	sadd.s32 $0x88, s3;
	s6 =	simm.s32 @!p1 $0x1082;
	[sflag:s4] =	ssyncset.s32 $0xFFFFF086  }
0x25: {  	[simem:s6], [sflag:s4] =	dma.local [hbm:s3], $0xF7A  }
0x26: {  	[smem:$0x3F9F] =	sst s1;
	(tag) =	ssettag s2;
	_ =	strace s9  }
0x27: {  	s1 =	sld [smem:$0x3FAF]  }
0x28: {  	s2 =	sld [smem:$0x3FB0]  }
0x29: {  	s4 =	sld [smem:$0x3FB2]  }
0x2a: {  	p0 =	seq.s32 s5, $0x0;
	s5 =	sld [smem:$0x3FB3]  }
0x2b: {  	s6 =	sld [smem:$0x3FB4]  }
0x2c: {  	s7 =	sld [smem:$0x3FB5]  }
0x2d: {  	s3 =	simm.s32 $0x108;
	s8 =	sld [smem:$0x3FB6]  }
0x2e: {  	s3 =	simm.s32 @!p0 $0x1082;
	s9 =	sld [smem:$0x3FB7]  }
0x2f: {  	lr =	sadd.s32 s0, s3;
	s0 =	sld [smem:$0x3FAE]  }
0x30: {  	s3 =	sld [smem:$0x3FB1]  }
0x31: {  	[smem:$0x3FBA] =	sst s10  }
0x32: {  	s10 =	sld [smem:$0x3FB8];
	_ =	sdelay $0x3  }
0x33: {  	p0 =	seq.s32 s10, $0x1;
	s10 =	sld [smem:$0x3FBA];
	_ =	sdelay $0x3  }
0x34: {  	[smem:$0x3FBA] =	sst s10  }
0x35: {  	s10 =	sld [smem:$0x3FB9];
	_ =	sdelay $0x3  }
0x36: {  	p1 =	seq.s32 s10, $0x1;
	s10 =	sld [smem:$0x3FBA];
	_ =	sdelay $0x3  }
0x37: {  	[smem:$0x3FBA] =	sst s10  }
0x38: {  	s10 =	sld [smem:$0x3FBB]  }
0x39: {  	_ = 	snop;
	(pc) =	sbr.ind lr, $3  }
0x3a: {  	_ = 	snop  }
0x3b: {  	_ = 	snop  }
0x3c: {  	p2 =	seq.s32 s10, $0x1;
	s10 =	sld [smem:$0x3FBA]  }
0x3d: {  	_ =	shalt  }
0x3e: {  	_ =	shalt  }
0x3f: {  	_ =	shalt  }
0x40: {  	_ =	shalt  }
0x41: {  	_ =	shalt  }
0x42: {  	_ =	shalt  }
0x43: {  	_ =	shalt  }
0x44: {  	_ =	shalt  }
0x45: {  	_ =	shalt  }
0x46: {  	_ =	shalt  }
0x47: {  	_ =	shalt  }
0x48: {  	_ =	shalt  }
0x49: {  	_ =	shalt  }
0x4a: {  	_ =	shalt  }
0x4b: {  	_ =	shalt  }
0x4c: {  	_ =	shalt  }
0x4d: {  	_ =	shalt  }
0x4e: {  	_ =	shalt  }
0x4f: {  	_ =	shalt  }
0x50: {  	_ =	shalt  }
0x51: {  	_ =	shalt  }
0x52: {  	_ =	shalt  }
0x53: {  	_ =	shalt  }
0x54: {  	_ =	shalt  }
0x55: {  	_ =	shalt  }
0x56: {  	_ =	shalt  }
0x57: {  	_ =	shalt  }
0x58: {  	_ =	shalt  }
0x59: {  	_ =	shalt  }
0x5a: {  	_ =	shalt  }
0x5b: {  	_ =	shalt  }
0x5c: {  	_ =	shalt  }
0x5d: {  	_ =	shalt  }
0x5e: {  	_ =	shalt  }
0x5f: {  	_ =	shalt  }
0x60: {  	_ =	shalt  }
0x61: {  	_ =	shalt  }
0x62: {  	_ =	shalt  }
0x63: {  	_ =	shalt  }
0x64: {  	_ =	shalt  }
0x65: {  	_ =	shalt  }
0x66: {  	_ =	shalt  }
0x67: {  	_ =	shalt  }
0x68: {  	_ =	shalt  }
0x69: {  	_ =	shalt  }
0x6a: {  	_ =	shalt  }
0x6b: {  	_ =	shalt  }
0x6c: {  	_ =	shalt  }
0x6d: {  	_ =	shalt  }
0x6e: {  	_ =	shalt  }
0x6f: {  	_ =	shalt  }
0x70: {  	_ =	shalt  }
0x71: {  	_ =	shalt  }
0x72: {  	_ =	shalt  }
0x73: {  	_ =	shalt  }
0x74: {  	_ =	shalt  }
0x75: {  	_ =	shalt  }
0x76: {  	_ =	shalt  }
0x77: {  	_ =	shalt  }
0x78: {  	_ =	shalt  }
0x79: {  	_ =	shalt  }
0x7a: {  	_ =	shalt  }
0x7b: {  	_ =	shalt  }
0x7c: {  	_ =	shalt  }
0x7d: {  	_ =	shalt  }
0x7e: {  	_ =	shalt  }
0x7f: {  	_ =	shalt  }
0x80: {  	_ =	shalt  }
0x81: {  	_ =	shalt  }
0x82: {  	_ =	shalt  }
0x83: {  	_ =	shalt  }
0x84: {  	_ =	shalt  }
0x85: {  	_ =	shalt  }
0x86: {  	_ =	shalt  }
0x87: {  	_ =	shalt  }
.Lfunc_end0:
.L_simem_size_0:
called_computation_lowered:
.L_overlay_start_0:
0x88: {  	s2 =	sld [smem:$0x3FD9]  }
0x89: {  	s3 =	sld [smem:$0x3FFE];
	_ =	sdelay $0x1  }
0x8a: {  	s1 =	srdreg.scid  }
0x8b: {  	s0 =	sand.u32 $0x1, s1  }
0x8c: {  	s18 =	sshll.u32 s0, $0xA;
	s2 =	sadd.s32 s3, s2  }
0x8d: {  	s2 =	sadd.s32 s2, s18  }
0x8e: {  	[smem:$0x3FC6] =	sst s2  }
0x8f: {  	_ = 	snop  }
0x90: {  	s2 =	sld [smem:$0x3FC9]  }
0x91: {  	s19 =	sld [smem:$0x3FC8]  }
0x92: {  	s4 =	sld [smem:$0x3FD0];
	(tm) =	ssettm $0x1  }
0x93: {  	s5 =	sld [smem:$0x3FFB];
	_ =	sdelay $0x3  }
0x94: {  	_ =	strace s5  }
0x95: {  	s5 =	sld [smem:$0x3FFC];
	_ =	sdelay $0x3  }
0x96: {  	_ =	strace s5  }
0x97: {  	s5 =	sld [smem:$0x3FFD];
	_ =	sdelay $0x3  }
0x98: {  	_ =	strace s5  }
0x99: {  	_ =	strace $0x8FFFFFFF  }
0x9a: {  	s20 =	sld [smem:$0x3FDB];
	_ =	sdelay $0x1  }
0x9b: {  	s6 =	simm.s32 $_scs_section_size  }
0x9c: {  	s7 =	simm.s32 $_size__tile_overlayer_lowered;
	s8 =	simm.s32 $_tile_overlayer_lowered  }
0x9d: {  	s23 =	simm.s32 $0x1BFF;
	s22 =	sshll.u32 s8, $0x1;
	s5 =	sadd.s32 s6, s20  }
0x9e: {  	s9 =	simm.s32 $0x0;
	s21 =	sshll.u32 s7, $0x1;
	s7 =	sadd.s32 s22, s5  }
0x9f: {  	[timem:s9], [sflag:s23] =	dma.local [hbm:s7], s21  }
0xa0: {  	_ =	swait.ge [sflag:s23], s21  }
0xa1: {  	s6 =	ssub.s32 $0x0, s21;
	[sflag:s23] =	ssyncset.done $0x0  }
0xa2: {  	[sflag:s23] =	ssyncadd.s32 s6;
	_ =	sdelay $0x1  }
0xa3: {  	s24 =	simm.s32 $0x1B8B  }
0xa4: {  	_ =	swait.ge [sflag:s24], $0x1  }
0xa5: {  	[sflag:s24] =	ssyncset.done $0x0  }
0xa6: {  	s25 =	simm.s32 $0x1B8E;
	[sflag:s24] =	ssyncadd.s32 $0xFFFFFFFF  }
0xa7: {  	s26 =	simm.s32 $execute0_lowered;
	[smem:$0x3FD2] =	sst s25  }
0xa8: {  	s6 =	sshll.u32 s26, $0x1;
	_ =	strace $0x80000046;
	[dreg:$0x1] =	wrdreg $0xFFFFFFFF  }
0xa9: {  	s28 =	simm.s32 $_size_execute0_lowered;
	s5 =	sadd.s32 s5, s6;
	[dreg:$0x0] =	wrdreg $0x0  }
0xaa: {  	s6 =	sshll.u32 s28, $0x1;
	[dreg:$0x2] =	wrdreg s5  }
0xab: {  	[dreg:$0x3] =	wrdreg s6  }
0xac: {  	[dreg:$0x4] =	wrdreg $0xC0  }
0xad: {  	_ =	task [dreg:s9], $0x5FFFF  }
0xae: {  	[dreg:$0x1] =	wrdreg $0xFFFFFFFF  }
0xaf: {  	[dreg:$0x0] =	wrdreg $0x60  }
0xb0: {  	[dreg:$0x2] =	wrdreg s19  }
0xb1: {  	[dreg:$0x3] =	wrdreg s2  }
0xb2: {  	[dreg:$0x4] =	wrdreg s4  }
0xb3: {  	[dreg:$0x5] =	wrdreg $0x9  }
0xb4: {  	_ =	task.clear_ibuf [dreg:s9], $0x6FFFF;
	_ =	strace $0x90000046  }
0xb5: {  	s29 =	simm.s32 $0x9;
	_ =	strace $0x80000048  }
0xb6: {  	_ =	swait.ge [sflag:s29], $0x1  }
0xb7: {  	[sflag:s29] =	ssyncadd.s32 $0xFFFFFFFF  }
0xb8: {  	_ =	strace $0x90000048  }
0xb9: {  	_ =	sfence  }
0xba: {  	s30 =	sld [smem:$0x0];
	_ =	sdelay $0x2  }
0xbb: {  	s31 =	sshll.u32 s1, $0xD;
	s1 =	sshrl.u32 s1, $0x2  }
0xbc: {  	s3 =	sand.u32 $0x4000, s31;
	s1 =	sadd.s32 s1, s30  }
0xbd: {  	s0 =	sor.u32 s3, s0;
	s1 =	sshll.u32 s1, $0x11  }
0xbe: {  	s0 =	sor.u32 s1, s0  }
0xbf: {  	s0 =	sadd.s32 $0x8F2B, s0  }
0xc0: {  	[sflag:s0] =	ssyncadd.remote.s32 $0x1  }
0xc1: {  	_ =	sfence.sel $0xFFFF  }
0xc2: {  	[dreg:$0x0] =	wrdreg $0xFFFFFFFF;
	(pc) =	sbr.abs _section_cstart, $3  }
0xc3: {  	[dreg:$0x1] =	wrdreg $0xFFFFFFFF  }
0xc4: {  	_ =	task.clear_ibuf [dreg:s9], $0x2FFFF;
	_ =	strace $0x9FFFFFFF  }
0xc5: {  	(tm) =	ssettm $0x7FFFFFFF  }
tec
execute0_lowered:
.L_overlay_start_1:
0x0: {  	(tag) =	ssettag $0x1  }
0x1: {  	s0 =	srdreg.scid  }
0x2: {  	s22 =	stileid.u32;
	s2 =	rddreg [dreg:$0x1];
	s0 =	sand.u32 $0x1, s0  }
0x3: {  	s1 =	sshll.u32 s22, $0x1;
	s5 =	sshrl.u32 s22, $0x2;
	s13 =	sshll.u32 s22, $0xF  }
0x4: {  	s9 =	sadd.s32 $0x4000, s2;
	s16 =	sshll.u32 s22, $0x2;
	s23 =	sadd.s32 $0x8000, s2  }
0x5: {  	s26 =	sadd.s32 $0xA000, s2;
	s11 =	sor.u32 s0, s1;
	s12 =	ssub.s32 $0x2, s0  }
0x6: {  	s3 =	smul.u32 $0xC3800, s5;
	s5 =	sshll.u32 s5, $0x4;
	s7 =	sshll.u32 s11, $0x7  }
0x7: {  	s4 =	sshrl.u32 s12, $0x1;
	s10 =	sor.u32 $0x20, s11;
	s8 =	sor.u32 $0x40, s11  }
0x8: {  	s0 =	sand.u32 $0x380, s7;
	s4 =	ssub.s32 s12, s4;
	s1 =	sor.u32 s13, s7  }
0x9: {  	s14 =	sshrl.u32 s10, $0x3;
	s6 =	sshll.u32 s10, $0xE;
	s15 =	sshrl.u32 s8, $0x3  }
0xa: {  	s17 =	sshll.u32 s8, $0xE;
	s10 =	sshll.u32 s10, $0x1;
	s13 =	smul.u32 $0xC3800, s14  }
0xb: {  	s3 =	sor.u32 s3, s0;
	s14 =	smul.u32 $0xC3800, s15;
	s15 =	sand.u32 $0x30, s16  }
0xc: {  	s16 =	sor.u32 $0x60, s11;
	s10 =	sand.u32 $0x70, s10;
	s1 =	sand.u32 $0x60380, s1  }
0xd: {  	s4 =	smax.u32 s4, $0x1;
	s12 =	sshrl.u32 s3, $0x3;
	s3 =	sor.u32 s7, s6  }
0xe: {  	s18 =	sadd.s32 s15, s9;
	s6 =	sor.u32 s7, s17;
	s19 =	sshll.u32 s16, $0x1  }
0xf: {  	s17 =	sadd.s32 $0x6000, s2;
	s20 =	sshll.u32 s16, $0xE;
	s16 =	sshrl.u32 s16, $0x3  }
0x10: {  	[dreg:$0x4] =	wrdreg s18;
	s18 =	sand.u32 $0x70, s19;
	s19 =	sadd.s32 s15, s17  }
0x11: {  	s8 =	sor.u32 s7, s20;
	[dreg:$0x5] =	wrdreg s19;
	s9 =	sadd.s32 s18, s9  }
0x12: {  	s21 =	sadd.s32 s18, s17;
	s17 =	sor.u32 $0x80, s11;
	[dreg:$0x6] =	wrdreg s9  }
0x13: {  	s18 =	sor.u32 $0xA0, s11;
	s11 =	sand.u32 $0xF, s11;
	[dreg:$0x7] =	wrdreg s21  }
0x14: {  	s24 =	sshll.u32 s17, $0xE;
	s20 =	sshll.u32 s18, $0xE;
	s25 =	sshll.u32 s18, $0x1  }
0x15: {  	s21 =	sadd.s32 s15, s23;
	s15 =	sadd.s32 s15, s26;
	s17 =	sshrl.u32 s17, $0x3  }
0x16: {  	s19 =	sshrl.u32 s18, $0x3;
	s9 =	sor.u32 s7, s24;
	[dreg:$0x8] =	wrdreg s21  }
0x17: {  	s7 =	sor.u32 s7, s20;
	s20 =	sand.u32 $0x70, s25;
	[dreg:$0x9] =	wrdreg s15  }
0x18: {  	s11 =	sor.u32 $0xC0, s11;
	s15 =	rddreg [dreg:$0x0];
	s23 =	sadd.s32 s20, s23  }
0x19: {  	s24 =	sadd.s32 s20, s26;
	s26 =	sor.u32 s0, s14;
	s14 =	smul.u32 $0xC3800, s16  }
0x1a: {  	s25 =	sor.u32 s0, s13;
	s16 =	smul.u32 $0xC3800, s17;
	[dreg:$0xa] =	wrdreg s23  }
0x1b: {  	s12 =	sadd.s32 s15, s12;
	s17 =	smul.u32 $0xC3800, s19;
	[dreg:$0xb] =	wrdreg s24  }
0x1c: {  	s20 =	sshrl.u32 s11, $0x3;
	s19 =	sshll.u32 s22, $0x5;
	[dreg:$0xc] =	wrdreg s12  }
0x1d: {  	s12 =	sshrl.u32 s25, $0x3;
	s13 =	sshrl.u32 s26, $0x3;
	s18 =	smul.u32 $0xC3800, s20  }
0x1e: {  	s20 =	sadd.s32 s2, s5;
	s14 =	sor.u32 s0, s14;
	s12 =	sadd.s32 s15, s12  }
0x1f: {  	s21 =	sadd.s32 s15, s13;
	s24 =	sor.u32 s0, s16;
	[dreg:$0x13] =	wrdreg s20  }
0x20: {  	s25 =	sor.u32 s0, s17;
	s17 =	sshll.u32 s22, $0xD;
	[dreg:$0xd] =	wrdreg s12  }
0x21: {  	s20 =	simm.s32 $0x0;
	s14 =	sshrl.u32 s14, $0x3;
	[dreg:$0xe] =	wrdreg s21  }
0x22: {  	s26 =	sor.u32 s0, s18;
	s12 =	sshrl.u32 s24, $0x3;
	s13 =	sshrl.u32 s25, $0x3  }
0x23: {  	s21 =	sadd.s32 $0x2000, s2;
	s24 =	sand.u32 $0x10000, s17;
	[smem:$0x7FF] =	sst s20  }
0x24: {  	s25 =	sshrl.u32 s1, $0x3;
	s23 =	sadd.s32 s15, s14;
	s14 =	sshrl.u32 s26, $0x3  }
0x25: {  	s12 =	sadd.s32 s15, s12;
	s13 =	sadd.s32 s15, s13;
	[dreg:$0xf] =	wrdreg s23  }
0x26: {  	s5 =	sadd.s32 s5, s21;
	s18 =	sadd.s32 s10, s21;
	[dreg:$0x10] =	wrdreg s12  }
0x27: {  	s26 =	sand.u32 $0xE0380, s3;
	[dreg:$0x11] =	wrdreg s13;
	s16 =	sadd.s32 s15, s14  }
0x28: {  	s13 =	sor.u32 s17, s19;
	[dreg:$0x14] =	wrdreg s5;
	s19 =	sadd.s32 s2, s10  }
0x29: {  	s23 =	sshll.u32 s11, $0xE;
	s10 =	rddreg [dreg:$0x2];
	s12 =	sand.u32 $0x160380, s6  }
0x2a: {  	s11 =	sshrl.u32 s26, $0x3;
	s15 =	sand.u32 $0x260380, s9;
	s17 =	sand.u32 $0x2E0380, s7  }
0x2b: {  	s6 =	simm.s32 $0x400;
	s7 =	simm.s32 $0x18700;
	s9 =	simm.s32 $0x1  }
0x2c: {  	[dreg:$0x12] =	wrdreg s16;
	s13 =	sand.u32 $0x10080, s13;
	s21 =	sadd.s32 s10, s25  }
0x2d: {  	s3 =	sadd.s32 $0x2000, s10;
	s1 =	sshrl.u32 s12, $0x3;
	s16 =	sshrl.u32 s15, $0x3  }
0x2e: {  	s12 =	simm.s32 $0x2;
	s22 =	sshrl.u32 s13, $0x3;
	s13 =	sand.u32 $0x1E0380, s8  }
0x2f: {  	s26 =	sadd.s32 s1, s3;
	s31 =	sadd.s32 s10, s16;
	s30 =	sadd.s32 s16, s3  }
0x30: {  	_ =	strace $0x80000047;
	s8 =	simm.s32 $0x4;
	s5 =	sadd.s32 s22, s2  }
0x31: {  	s2 =	sand.u32 $0x320000, s23;
	s22 =	sadd.s32 s25, s3;
	s23 =	sadd.s32 s10, s11  }
0x32: {  	s14 =	sshrl.u32 s13, $0x3;
	s25 =	sadd.s32 s10, s1;
	s1 =	sshrl.u32 s17, $0x3  }
0x33: {  	s13 =	simm.s32 $0x3;
	s2 =	sor.u32 s2, s24;
	s24 =	sadd.s32 s11, s3  }
0x34: {  	s28 =	sadd.s32 s10, s14;
	s29 =	sadd.s32 s14, s3;
	s11 =	simm.s32 $0x1C700  }
0x35: {  	s14 =	simm.s32 $0x0;
	s2 =	sor.u32 s0, s2;
	s0 =	sadd.s32 s1, s3  }
0x36: {  	s1 =	sadd.s32 s10, s1;
	s3 =	sadd.s32 $0xC000, s5;
	s2 =	sshrl.u32 s2, $0x3  }
0x37: {  	s5 =	simm.s32 $0x80;
	s2 =	sadd.s32 s10, s2;
	s10 =	simm.s32 $0x1A700  }
.LBB2_1:
0x38: {  	s15 =	rddreg [dreg:$0xc]  }
0x39: {  	[tilespmem:s20], [sflag:$0x1] =	stream.strided.gather [hbm4b:s15+s5], $0x18700, s6, s5, $0x38;
	[tilespmem:$0x1E700] =	vst v63  }
0x3a: {  	s16 =	rddreg [dreg:$0x13]  }
0x3b: {  	[tilespmem:s7], [sflag:$0x4] =	stream.strided.gather [hbm4b:s16+s5], $0x2000, s6, s5, $0x38;
	[tilespmem:$0x1E700] =	vst v63  }
0x3c: {  	_ =	swait.ge [sflag:s8], $0x2000  }
0x3d: {  	[sflag:s8] =	ssyncset.done $0x0  }
0x3e: {  	[sflag:s8] =	ssyncadd.s32 $0xFFFFE000  }
0x3f: {  	_ =	swait.ge [sflag:s9], $0x18700  }
0x40: {  	[sflag:s9] =	ssyncset.done $0x0  }
0x41: {  	s17 =	simm.s32 $0x18740;
	[sflag:s9] =	ssyncadd.s32 $0xFFFE7900  }
0x42: {  	v0 =	vld [tilespmem:s17+$0x30]  }
0x43: {  	v1 =	vld [tilespmem:s17+$0xFFFFFFD0]  }
0x44: {  	v2 =	vld [tilespmem:s17+$0xFFFFFFE0]  }
0x45: {  	v3 =	vld [tilespmem:s17+$0xFFFFFFF0]  }
0x46: {  	v4 =	vld [tilespmem:s17+$0x0]  }
0x47: {  	v6 =	vld [tilespmem:s17+$0x10]  }
0x48: {  	v7 =	vld [tilespmem:s17+$0x20]  }
0x49: {  	v8 =	vld [tilespmem:s17+$0xFFFFFFC0]  }
0x4a: {  	v9 =	vld.idx.msk [tilespmem:v0+s20+$0x0], $0xffff  }
0x4b: {  	v10 =	vld.idx.msk [tilespmem:v1+s20+$0x0], $0xffff  }
0x4c: {  	v5 =	vld.idx.msk [tilespmem:v2+s20+$0x0], $0xffff  }
0x4d: {  	v3 =	vld.idx.msk [tilespmem:v3+s20+$0x0], $0xffff  }
0x4e: {  	v0 =	vld.idx.msk [tilespmem:v4+s20+$0x0], $0xffff  }
0x4f: {  	s15 =	simm.s32 $0x1A740;
	v1 =	vld.idx.msk [tilespmem:v6+s20+$0x0], $0xffff  }
0x50: {  	v2 =	vld.idx.msk [tilespmem:v7+s20+$0x0], $0xffff;
	[tilespmem:s15+$0x30] =	vst v9  }
0x51: {  	s16 =	simm.s32 $0x0;
	s17 =	simm.s32 $0x187C0;
	v4 =	vld.idx.msk [tilespmem:v8+s20+$0x0], $0xffff;
	[tilespmem:s15+$0xFFFFFFD0] =	vst v10  }
.LBB2_2:
0x52: {  	v6 =	vld [tilespmem:s17+$0x30];
	s16 =	sadd.s32 $0x8, s16;
	[tilespmem:s15+$0xFFFFFFE0] =	vst v5  }
0x53: {  	v5 =	vld [tilespmem:s17+$0xFFFFFFD0];
	p0 =	slt.u32 s16, $0x1F8;
	[tilespmem:s15+$0xFFFFFFF0] =	vst v3  }
0x54: {  	v3 =	vld [tilespmem:s17+$0xFFFFFFE0];
	[tilespmem:s15+$0x0] =	vst v0  }
0x55: {  	v0 =	vld [tilespmem:s17+$0xFFFFFFF0];
	[tilespmem:s15+$0x10] =	vst v1  }
0x56: {  	v1 =	vld [tilespmem:s17+$0x0];
	[tilespmem:s15+$0x20] =	vst v2  }
0x57: {  	v2 =	vld [tilespmem:s17+$0x10];
	[tilespmem:s15+$0xFFFFFFC0] =	vst v4  }
0x58: {  	v4 =	vld [tilespmem:s17+$0x20]  }
0x59: {  	v7 =	vld [tilespmem:s17+$0xFFFFFFC0]  }
0x5a: {  	v6 =	vld.idx.msk [tilespmem:v6+s20+$0x0], $0xffff  }
0x5b: {  	v8 =	vld.idx.msk [tilespmem:v5+s20+$0x0], $0xffff  }
0x5c: {  	v5 =	vld.idx.msk [tilespmem:v3+s20+$0x0], $0xffff  }
.Ltmp0:
0x5d: {  	v3 =	vld.idx.msk [tilespmem:v0+s20+$0x0], $0xffff;
	(pc) =	sbr.rel @p0 .LBB2_2-.Ltmp0, $4  }
0x5e: {  	v0 =	vld.idx.msk [tilespmem:v1+s20+$0x0], $0xffff  }
0x5f: {  	s15 =	sadd.s32 $0x80, s15;
	v1 =	vld.idx.msk [tilespmem:v2+s20+$0x0], $0xffff  }
0x60: {  	v2 =	vld.idx.msk [tilespmem:v4+s20+$0x0], $0xffff;
	[tilespmem:s15+$0x30] =	vst v6  }
0x61: {  	s17 =	sadd.s32 $0x80, s17;
	v4 =	vld.idx.msk [tilespmem:v7+s20+$0x0], $0xffff;
	[tilespmem:s15+$0xFFFFFFD0] =	vst v8  }
0x62: {  	[tilespmem:s15+$0xFFFFFFE0] =	vst v5  }
0x63: {  	[tilespmem:s15+$0xFFFFFFF0] =	vst v3  }
0x64: {  	[tilespmem:s15+$0x0] =	vst v0  }
0x65: {  	[tilespmem:s15+$0x10] =	vst v1  }
0x66: {  	[tilespmem:s15+$0x20] =	vst v2  }
0x67: {  	[tilespmem:s15+$0xFFFFFFC0] =	vst v4  }
0x68: {  	[hbm4b:s21+s5] =	stream.strided.scatter [tilespmem:s10], [sflag:$0x2], $0x2000, s6, s5, $0x38;
	[tilespmem:$0x1E700] =	vst v63  }
0x69: {  	s15 =	rddreg [dreg:$0x14]  }
0x6a: {  	[tilespmem:s7], [sflag:$0x4] =	stream.strided.gather [hbm4b:s15+s5], $0x2000, s6, s5, $0x38;
	[tilespmem:$0x1E700] =	vst v63  }
0x6b: {  	_ =	swait.ge [sflag:s8], $0x2000  }
0x6c: {  	[sflag:s8] =	ssyncset.done $0x0  }
0x6d: {  	s17 =	simm.s32 $0x18740;
	[sflag:s8] =	ssyncadd.s32 $0xFFFFE000  }
0x6e: {  	v0 =	vld [tilespmem:s17+$0x30]  }
0x6f: {  	v1 =	vld [tilespmem:s17+$0xFFFFFFD0]  }
0x70: {  	v2 =	vld [tilespmem:s17+$0xFFFFFFE0]  }
0x71: {  	v3 =	vld [tilespmem:s17+$0xFFFFFFF0]  }
0x72: {  	v4 =	vld [tilespmem:s17+$0x0]  }
0x73: {  	v6 =	vld [tilespmem:s17+$0x10]  }
0x74: {  	v7 =	vld [tilespmem:s17+$0x20]  }
0x75: {  	v8 =	vld [tilespmem:s17+$0xFFFFFFC0]  }
0x76: {  	v9 =	vld.idx.msk [tilespmem:v0+s20+$0x0], $0xffff  }
0x77: {  	v10 =	vld.idx.msk [tilespmem:v1+s20+$0x0], $0xffff  }
0x78: {  	v5 =	vld.idx.msk [tilespmem:v2+s20+$0x0], $0xffff  }
0x79: {  	v3 =	vld.idx.msk [tilespmem:v3+s20+$0x0], $0xffff  }
0x7a: {  	v0 =	vld.idx.msk [tilespmem:v4+s20+$0x0], $0xffff  }
0x7b: {  	s15 =	simm.s32 $0x1C740;
	v1 =	vld.idx.msk [tilespmem:v6+s20+$0x0], $0xffff  }
0x7c: {  	v2 =	vld.idx.msk [tilespmem:v7+s20+$0x0], $0xffff;
	[tilespmem:s15+$0x30] =	vst v9  }
0x7d: {  	s16 =	simm.s32 $0x0;
	s17 =	simm.s32 $0x187C0;
	v4 =	vld.idx.msk [tilespmem:v8+s20+$0x0], $0xffff;
	[tilespmem:s15+$0xFFFFFFD0] =	vst v10  }
.LBB2_4:
0x7e: {  	v6 =	vld [tilespmem:s17+$0x30];
	s16 =	sadd.s32 $0x8, s16;
	[tilespmem:s15+$0xFFFFFFE0] =	vst v5  }
0x7f: {  	v5 =	vld [tilespmem:s17+$0xFFFFFFD0];
	p0 =	slt.u32 s16, $0x1F8;
	[tilespmem:s15+$0xFFFFFFF0] =	vst v3  }
0x80: {  	v3 =	vld [tilespmem:s17+$0xFFFFFFE0];
	[tilespmem:s15+$0x0] =	vst v0  }
0x81: {  	v0 =	vld [tilespmem:s17+$0xFFFFFFF0];
	[tilespmem:s15+$0x10] =	vst v1  }
0x82: {  	v1 =	vld [tilespmem:s17+$0x0];
	[tilespmem:s15+$0x20] =	vst v2  }
0x83: {  	v2 =	vld [tilespmem:s17+$0x10];
	[tilespmem:s15+$0xFFFFFFC0] =	vst v4  }
0x84: {  	v4 =	vld [tilespmem:s17+$0x20]  }
0x85: {  	v7 =	vld [tilespmem:s17+$0xFFFFFFC0]  }
0x86: {  	v6 =	vld.idx.msk [tilespmem:v6+s20+$0x0], $0xffff  }
0x87: {  	v8 =	vld.idx.msk [tilespmem:v5+s20+$0x0], $0xffff  }
0x88: {  	v5 =	vld.idx.msk [tilespmem:v3+s20+$0x0], $0xffff  }
.Ltmp1:
0x89: {  	v3 =	vld.idx.msk [tilespmem:v0+s20+$0x0], $0xffff;
	(pc) =	sbr.rel @p0 .LBB2_4-.Ltmp1, $4  }
0x8a: {  	v0 =	vld.idx.msk [tilespmem:v1+s20+$0x0], $0xffff  }
0x8b: {  	s15 =	sadd.s32 $0x80, s15;
	v1 =	vld.idx.msk [tilespmem:v2+s20+$0x0], $0xffff  }
0x8c: {  	v2 =	vld.idx.msk [tilespmem:v4+s20+$0x0], $0xffff;
	[tilespmem:s15+$0x30] =	vst v6  }
0x8d: {  	s17 =	sadd.s32 $0x80, s17;
	v4 =	vld.idx.msk [tilespmem:v7+s20+$0x0], $0xffff;
	[tilespmem:s15+$0xFFFFFFD0] =	vst v8  }
0x8e: {  	[tilespmem:s15+$0xFFFFFFE0] =	vst v5  }
0x8f: {  	[tilespmem:s15+$0xFFFFFFF0] =	vst v3  }
0x90: {  	[tilespmem:s15+$0x0] =	vst v0  }
0x91: {  	[tilespmem:s15+$0x10] =	vst v1  }
0x92: {  	[tilespmem:s15+$0x20] =	vst v2  }
0x93: {  	[tilespmem:s15+$0xFFFFFFC0] =	vst v4  }
0x94: {  	[hbm4b:s22+s5] =	stream.strided.scatter [tilespmem:s11], [sflag:$0x3], $0x2000, s6, s5, $0x38;
	[tilespmem:$0x1E700] =	vst v63  }
0x95: {  	s15 =	rddreg [dreg:$0xd]  }
0x96: {  	[tilespmem:s20], [sflag:$0x1] =	stream.strided.gather [hbm4b:s15+s5], $0x18700, s6, s5, $0x38;
	[tilespmem:$0x1E700] =	vst v63  }
0x97: {  	_ = 	snop  }
0x98: {  	[tilespmem:s7], [sflag:$0x4] =	stream.strided.gather [hbm4b:s19+s5], $0x2000, s6, s5, $0x38;
	[tilespmem:$0x1E700] =	vst v63  }
0x99: {  	_ =	swait.ge [sflag:s8], $0x2000  }
0x9a: {  	[sflag:s8] =	ssyncset.done $0x0  }
0x9b: {  	[sflag:s8] =	ssyncadd.s32 $0xFFFFE000  }
0x9c: {  	_ =	swait.ge [sflag:s9], $0x18700  }
0x9d: {  	[sflag:s9] =	ssyncset.done $0x0  }
0x9e: {  	[sflag:s9] =	ssyncadd.s32 $0xFFFE7900  }
0x9f: {  	_ =	swait.ge [sflag:s12], $0x2000  }
0xa0: {  	[sflag:s12] =	ssyncset.done $0x0  }
0xa1: {  	s17 =	simm.s32 $0x18740;
	[sflag:s12] =	ssyncadd.s32 $0xFFFFE000  }
0xa2: {  	v0 =	vld [tilespmem:s17+$0x30]  }
0xa3: {  	v1 =	vld [tilespmem:s17+$0xFFFFFFD0]  }
0xa4: {  	v2 =	vld [tilespmem:s17+$0xFFFFFFE0]  }
0xa5: {  	v3 =	vld [tilespmem:s17+$0xFFFFFFF0]  }
0xa6: {  	v4 =	vld [tilespmem:s17+$0x0]  }
0xa7: {  	v6 =	vld [tilespmem:s17+$0x10]  }
0xa8: {  	v7 =	vld [tilespmem:s17+$0x20]  }
0xa9: {  	v8 =	vld [tilespmem:s17+$0xFFFFFFC0]  }
0xaa: {  	v9 =	vld.idx.msk [tilespmem:v0+s20+$0x0], $0xffff  }
0xab: {  	v10 =	vld.idx.msk [tilespmem:v1+s20+$0x0], $0xffff  }
0xac: {  	v5 =	vld.idx.msk [tilespmem:v2+s20+$0x0], $0xffff  }
0xad: {  	v3 =	vld.idx.msk [tilespmem:v3+s20+$0x0], $0xffff  }
0xae: {  	v0 =	vld.idx.msk [tilespmem:v4+s20+$0x0], $0xffff  }
0xaf: {  	s15 =	simm.s32 $0x1A740;
	v1 =	vld.idx.msk [tilespmem:v6+s20+$0x0], $0xffff  }
0xb0: {  	v2 =	vld.idx.msk [tilespmem:v7+s20+$0x0], $0xffff;
	[tilespmem:s15+$0x30] =	vst v9  }
0xb1: {  	s16 =	simm.s32 $0x0;
	s17 =	simm.s32 $0x187C0;
	v4 =	vld.idx.msk [tilespmem:v8+s20+$0x0], $0xffff;
	[tilespmem:s15+$0xFFFFFFD0] =	vst v10  }
.LBB2_6:
0xb2: {  	v6 =	vld [tilespmem:s17+$0x30];
	s16 =	sadd.s32 $0x8, s16;
	[tilespmem:s15+$0xFFFFFFE0] =	vst v5  }
0xb3: {  	v5 =	vld [tilespmem:s17+$0xFFFFFFD0];
	p0 =	slt.u32 s16, $0x1F8;
	[tilespmem:s15+$0xFFFFFFF0] =	vst v3  }
0xb4: {  	v3 =	vld [tilespmem:s17+$0xFFFFFFE0];
	[tilespmem:s15+$0x0] =	vst v0  }
0xb5: {  	v0 =	vld [tilespmem:s17+$0xFFFFFFF0];
	[tilespmem:s15+$0x10] =	vst v1  }
0xb6: {  	v1 =	vld [tilespmem:s17+$0x0];
	[tilespmem:s15+$0x20] =	vst v2  }
0xb7: {  	v2 =	vld [tilespmem:s17+$0x10];
	[tilespmem:s15+$0xFFFFFFC0] =	vst v4  }
0xb8: {  	v4 =	vld [tilespmem:s17+$0x20]  }
0xb9: {  	v7 =	vld [tilespmem:s17+$0xFFFFFFC0]  }
0xba: {  	v6 =	vld.idx.msk [tilespmem:v6+s20+$0x0], $0xffff  }
0xbb: {  	v8 =	vld.idx.msk [tilespmem:v5+s20+$0x0], $0xffff  }
0xbc: {  	v5 =	vld.idx.msk [tilespmem:v3+s20+$0x0], $0xffff  }
.Ltmp2:
0xbd: {  	v3 =	vld.idx.msk [tilespmem:v0+s20+$0x0], $0xffff;
	(pc) =	sbr.rel @p0 .LBB2_6-.Ltmp2, $4  }
0xbe: {  	v0 =	vld.idx.msk [tilespmem:v1+s20+$0x0], $0xffff  }
0xbf: {  	s15 =	sadd.s32 $0x80, s15;
	v1 =	vld.idx.msk [tilespmem:v2+s20+$0x0], $0xffff  }
0xc0: {  	v2 =	vld.idx.msk [tilespmem:v4+s20+$0x0], $0xffff;
	[tilespmem:s15+$0x30] =	vst v6  }
0xc1: {  	s17 =	sadd.s32 $0x80, s17;
	v4 =	vld.idx.msk [tilespmem:v7+s20+$0x0], $0xffff;
	[tilespmem:s15+$0xFFFFFFD0] =	vst v8  }
0xc2: {  	[tilespmem:s15+$0xFFFFFFE0] =	vst v5  }
0xc3: {  	[tilespmem:s15+$0xFFFFFFF0] =	vst v3  }
0xc4: {  	[tilespmem:s15+$0x0] =	vst v0  }
0xc5: {  	[tilespmem:s15+$0x10] =	vst v1  }
0xc6: {  	[tilespmem:s15+$0x20] =	vst v2  }
0xc7: {  	[tilespmem:s15+$0xFFFFFFC0] =	vst v4  }
0xc8: {  	[hbm4b:s23+s5] =	stream.strided.scatter [tilespmem:s10], [sflag:$0x2], $0x2000, s6, s5, $0x38;
	[tilespmem:$0x1E700] =	vst v63  }
0xc9: {  	_ = 	snop  }
0xca: {  	[tilespmem:s7], [sflag:$0x4] =	stream.strided.gather [hbm4b:s18+s5], $0x2000, s6, s5, $0x38;
	[tilespmem:$0x1E700] =	vst v63  }
0xcb: {  	_ =	swait.ge [sflag:s8], $0x2000  }
0xcc: {  	[sflag:s8] =	ssyncset.done $0x0  }
0xcd: {  	[sflag:s8] =	ssyncadd.s32 $0xFFFFE000  }
0xce: {  	_ =	swait.ge [sflag:s13], $0x2000  }
0xcf: {  	[sflag:s13] =	ssyncset.done $0x0  }
0xd0: {  	s17 =	simm.s32 $0x18740;
	[sflag:s13] =	ssyncadd.s32 $0xFFFFE000  }
0xd1: {  	v0 =	vld [tilespmem:s17+$0x30]  }
0xd2: {  	v1 =	vld [tilespmem:s17+$0xFFFFFFD0]  }
0xd3: {  	v2 =	vld [tilespmem:s17+$0xFFFFFFE0]  }
0xd4: {  	v3 =	vld [tilespmem:s17+$0xFFFFFFF0]  }
0xd5: {  	v4 =	vld [tilespmem:s17+$0x0]  }
0xd6: {  	v6 =	vld [tilespmem:s17+$0x10]  }
0xd7: {  	v7 =	vld [tilespmem:s17+$0x20]  }
0xd8: {  	v8 =	vld [tilespmem:s17+$0xFFFFFFC0]  }
0xd9: {  	v9 =	vld.idx.msk [tilespmem:v0+s20+$0x0], $0xffff  }
0xda: {  	v10 =	vld.idx.msk [tilespmem:v1+s20+$0x0], $0xffff  }
0xdb: {  	v5 =	vld.idx.msk [tilespmem:v2+s20+$0x0], $0xffff  }
0xdc: {  	v3 =	vld.idx.msk [tilespmem:v3+s20+$0x0], $0xffff  }
0xdd: {  	v0 =	vld.idx.msk [tilespmem:v4+s20+$0x0], $0xffff  }
0xde: {  	s15 =	simm.s32 $0x1C740;
	v1 =	vld.idx.msk [tilespmem:v6+s20+$0x0], $0xffff  }
0xdf: {  	v2 =	vld.idx.msk [tilespmem:v7+s20+$0x0], $0xffff;
	[tilespmem:s15+$0x30] =	vst v9  }
0xe0: {  	s16 =	simm.s32 $0x0;
	s17 =	simm.s32 $0x187C0;
	v4 =	vld.idx.msk [tilespmem:v8+s20+$0x0], $0xffff;
	[tilespmem:s15+$0xFFFFFFD0] =	vst v10  }
.LBB2_8:
0xe1: {  	v6 =	vld [tilespmem:s17+$0x30];
	s16 =	sadd.s32 $0x8, s16;
	[tilespmem:s15+$0xFFFFFFE0] =	vst v5  }
0xe2: {  	v5 =	vld [tilespmem:s17+$0xFFFFFFD0];
	p0 =	slt.u32 s16, $0x1F8;
	[tilespmem:s15+$0xFFFFFFF0] =	vst v3  }
0xe3: {  	v3 =	vld [tilespmem:s17+$0xFFFFFFE0];
	[tilespmem:s15+$0x0] =	vst v0  }
0xe4: {  	v0 =	vld [tilespmem:s17+$0xFFFFFFF0];
	[tilespmem:s15+$0x10] =	vst v1  }
0xe5: {  	v1 =	vld [tilespmem:s17+$0x0];
	[tilespmem:s15+$0x20] =	vst v2  }
0xe6: {  	v2 =	vld [tilespmem:s17+$0x10];
	[tilespmem:s15+$0xFFFFFFC0] =	vst v4  }
0xe7: {  	v4 =	vld [tilespmem:s17+$0x20]  }
0xe8: {  	v7 =	vld [tilespmem:s17+$0xFFFFFFC0]  }
0xe9: {  	v6 =	vld.idx.msk [tilespmem:v6+s20+$0x0], $0xffff  }
0xea: {  	v8 =	vld.idx.msk [tilespmem:v5+s20+$0x0], $0xffff  }
0xeb: {  	v5 =	vld.idx.msk [tilespmem:v3+s20+$0x0], $0xffff  }
.Ltmp3:
0xec: {  	v3 =	vld.idx.msk [tilespmem:v0+s20+$0x0], $0xffff;
	(pc) =	sbr.rel @p0 .LBB2_8-.Ltmp3, $4  }
0xed: {  	v0 =	vld.idx.msk [tilespmem:v1+s20+$0x0], $0xffff  }
0xee: {  	s15 =	sadd.s32 $0x80, s15;
	v1 =	vld.idx.msk [tilespmem:v2+s20+$0x0], $0xffff  }
0xef: {  	v2 =	vld.idx.msk [tilespmem:v4+s20+$0x0], $0xffff;
	[tilespmem:s15+$0x30] =	vst v6  }
0xf0: {  	s17 =	sadd.s32 $0x80, s17;
	v4 =	vld.idx.msk [tilespmem:v7+s20+$0x0], $0xffff;
	[tilespmem:s15+$0xFFFFFFD0] =	vst v8  }
0xf1: {  	[tilespmem:s15+$0xFFFFFFE0] =	vst v5  }
0xf2: {  	[tilespmem:s15+$0xFFFFFFF0] =	vst v3  }
0xf3: {  	[tilespmem:s15+$0x0] =	vst v0  }
0xf4: {  	[tilespmem:s15+$0x10] =	vst v1  }
0xf5: {  	[tilespmem:s15+$0x20] =	vst v2  }
0xf6: {  	[tilespmem:s15+$0xFFFFFFC0] =	vst v4  }
0xf7: {  	[hbm4b:s24+s5] =	stream.strided.scatter [tilespmem:s11], [sflag:$0x3], $0x2000, s6, s5, $0x38;
	[tilespmem:$0x1E700] =	vst v63  }
0xf8: {  	s15 =	rddreg [dreg:$0xe]  }
0xf9: {  	[tilespmem:s20], [sflag:$0x1] =	stream.strided.gather [hbm4b:s15+s5], $0x18700, s6, s5, $0x38;
	[tilespmem:$0x1E700] =	vst v63  }
0xfa: {  	s16 =	rddreg [dreg:$0x4]  }
0xfb: {  	[tilespmem:s7], [sflag:$0x4] =	stream.strided.gather [hbm4b:s16+s5], $0x2000, s6, s5, $0x38;
	[tilespmem:$0x1E700] =	vst v63  }
0xfc: {  	_ =	swait.ge [sflag:s8], $0x2000  }
0xfd: {  	[sflag:s8] =	ssyncset.done $0x0  }
0xfe: {  	[sflag:s8] =	ssyncadd.s32 $0xFFFFE000  }
0xff: {  	_ =	swait.ge [sflag:s9], $0x18700  }
0x100: {  	[sflag:s9] =	ssyncset.done $0x0  }
0x101: {  	[sflag:s9] =	ssyncadd.s32 $0xFFFE7900  }
0x102: {  	_ =	swait.ge [sflag:s12], $0x2000  }
0x103: {  	[sflag:s12] =	ssyncset.done $0x0  }
0x104: {  	s17 =	simm.s32 $0x18740;
	[sflag:s12] =	ssyncadd.s32 $0xFFFFE000  }
0x105: {  	v0 =	vld [tilespmem:s17+$0x30]  }
0x106: {  	v1 =	vld [tilespmem:s17+$0xFFFFFFD0]  }
0x107: {  	v2 =	vld [tilespmem:s17+$0xFFFFFFE0]  }
0x108: {  	v3 =	vld [tilespmem:s17+$0xFFFFFFF0]  }
0x109: {  	v4 =	vld [tilespmem:s17+$0x0]  }
0x10a: {  	v6 =	vld [tilespmem:s17+$0x10]  }
0x10b: {  	v7 =	vld [tilespmem:s17+$0x20]  }
0x10c: {  	v8 =	vld [tilespmem:s17+$0xFFFFFFC0]  }
0x10d: {  	v9 =	vld.idx.msk [tilespmem:v0+s20+$0x0], $0xffff  }
0x10e: {  	v10 =	vld.idx.msk [tilespmem:v1+s20+$0x0], $0xffff  }
0x10f: {  	v5 =	vld.idx.msk [tilespmem:v2+s20+$0x0], $0xffff  }
0x110: {  	v3 =	vld.idx.msk [tilespmem:v3+s20+$0x0], $0xffff  }
0x111: {  	v0 =	vld.idx.msk [tilespmem:v4+s20+$0x0], $0xffff  }
0x112: {  	s15 =	simm.s32 $0x1A740;
	v1 =	vld.idx.msk [tilespmem:v6+s20+$0x0], $0xffff  }
0x113: {  	v2 =	vld.idx.msk [tilespmem:v7+s20+$0x0], $0xffff;
	[tilespmem:s15+$0x30] =	vst v9  }
0x114: {  	s16 =	simm.s32 $0x0;
	s17 =	simm.s32 $0x187C0;
	v4 =	vld.idx.msk [tilespmem:v8+s20+$0x0], $0xffff;
	[tilespmem:s15+$0xFFFFFFD0] =	vst v10  }
.LBB2_10:
0x115: {  	v6 =	vld [tilespmem:s17+$0x30];
	s16 =	sadd.s32 $0x8, s16;
	[tilespmem:s15+$0xFFFFFFE0] =	vst v5  }
0x116: {  	v5 =	vld [tilespmem:s17+$0xFFFFFFD0];
	p0 =	slt.u32 s16, $0x1F8;
	[tilespmem:s15+$0xFFFFFFF0] =	vst v3  }
0x117: {  	v3 =	vld [tilespmem:s17+$0xFFFFFFE0];
	[tilespmem:s15+$0x0] =	vst v0  }
0x118: {  	v0 =	vld [tilespmem:s17+$0xFFFFFFF0];
	[tilespmem:s15+$0x10] =	vst v1  }
0x119: {  	v1 =	vld [tilespmem:s17+$0x0];
	[tilespmem:s15+$0x20] =	vst v2  }
0x11a: {  	v2 =	vld [tilespmem:s17+$0x10];
	[tilespmem:s15+$0xFFFFFFC0] =	vst v4  }
0x11b: {  	v4 =	vld [tilespmem:s17+$0x20]  }
0x11c: {  	v7 =	vld [tilespmem:s17+$0xFFFFFFC0]  }
0x11d: {  	v6 =	vld.idx.msk [tilespmem:v6+s20+$0x0], $0xffff  }
0x11e: {  	v8 =	vld.idx.msk [tilespmem:v5+s20+$0x0], $0xffff  }
0x11f: {  	v5 =	vld.idx.msk [tilespmem:v3+s20+$0x0], $0xffff  }
.Ltmp4:
0x120: {  	v3 =	vld.idx.msk [tilespmem:v0+s20+$0x0], $0xffff;
	(pc) =	sbr.rel @p0 .LBB2_10-.Ltmp4, $4  }
0x121: {  	v0 =	vld.idx.msk [tilespmem:v1+s20+$0x0], $0xffff  }
0x122: {  	s15 =	sadd.s32 $0x80, s15;
	v1 =	vld.idx.msk [tilespmem:v2+s20+$0x0], $0xffff  }
0x123: {  	v2 =	vld.idx.msk [tilespmem:v4+s20+$0x0], $0xffff;
	[tilespmem:s15+$0x30] =	vst v6  }
0x124: {  	s17 =	sadd.s32 $0x80, s17;
	v4 =	vld.idx.msk [tilespmem:v7+s20+$0x0], $0xffff;
	[tilespmem:s15+$0xFFFFFFD0] =	vst v8  }
0x125: {  	[tilespmem:s15+$0xFFFFFFE0] =	vst v5  }
0x126: {  	[tilespmem:s15+$0xFFFFFFF0] =	vst v3  }
0x127: {  	[tilespmem:s15+$0x0] =	vst v0  }
0x128: {  	[tilespmem:s15+$0x10] =	vst v1  }
0x129: {  	[tilespmem:s15+$0x20] =	vst v2  }
0x12a: {  	[tilespmem:s15+$0xFFFFFFC0] =	vst v4  }
0x12b: {  	[hbm4b:s25+s5] =	stream.strided.scatter [tilespmem:s10], [sflag:$0x2], $0x2000, s6, s5, $0x38;
	[tilespmem:$0x1E700] =	vst v63  }
0x12c: {  	s15 =	rddreg [dreg:$0x5]  }
0x12d: {  	[tilespmem:s7], [sflag:$0x4] =	stream.strided.gather [hbm4b:s15+s5], $0x2000, s6, s5, $0x38;
	[tilespmem:$0x1E700] =	vst v63  }
0x12e: {  	_ =	swait.ge [sflag:s8], $0x2000  }
0x12f: {  	[sflag:s8] =	ssyncset.done $0x0  }
0x130: {  	[sflag:s8] =	ssyncadd.s32 $0xFFFFE000  }
0x131: {  	_ =	swait.ge [sflag:s13], $0x2000  }
0x132: {  	[sflag:s13] =	ssyncset.done $0x0  }
0x133: {  	s17 =	simm.s32 $0x18740;
	[sflag:s13] =	ssyncadd.s32 $0xFFFFE000  }
0x134: {  	v0 =	vld [tilespmem:s17+$0x30]  }
0x135: {  	v1 =	vld [tilespmem:s17+$0xFFFFFFD0]  }
0x136: {  	v2 =	vld [tilespmem:s17+$0xFFFFFFE0]  }
0x137: {  	v3 =	vld [tilespmem:s17+$0xFFFFFFF0]  }
0x138: {  	v4 =	vld [tilespmem:s17+$0x0]  }
0x139: {  	v6 =	vld [tilespmem:s17+$0x10]  }
0x13a: {  	v7 =	vld [tilespmem:s17+$0x20]  }
0x13b: {  	v8 =	vld [tilespmem:s17+$0xFFFFFFC0]  }
0x13c: {  	v9 =	vld.idx.msk [tilespmem:v0+s20+$0x0], $0xffff  }
0x13d: {  	v10 =	vld.idx.msk [tilespmem:v1+s20+$0x0], $0xffff  }
0x13e: {  	v5 =	vld.idx.msk [tilespmem:v2+s20+$0x0], $0xffff  }
0x13f: {  	v3 =	vld.idx.msk [tilespmem:v3+s20+$0x0], $0xffff  }
0x140: {  	v0 =	vld.idx.msk [tilespmem:v4+s20+$0x0], $0xffff  }
0x141: {  	s15 =	simm.s32 $0x1C740;
	v1 =	vld.idx.msk [tilespmem:v6+s20+$0x0], $0xffff  }
0x142: {  	v2 =	vld.idx.msk [tilespmem:v7+s20+$0x0], $0xffff;
	[tilespmem:s15+$0x30] =	vst v9  }
0x143: {  	s16 =	simm.s32 $0x0;
	s17 =	simm.s32 $0x187C0;
	v4 =	vld.idx.msk [tilespmem:v8+s20+$0x0], $0xffff;
	[tilespmem:s15+$0xFFFFFFD0] =	vst v10  }
.LBB2_12:
0x144: {  	v6 =	vld [tilespmem:s17+$0x30];
	s16 =	sadd.s32 $0x8, s16;
	[tilespmem:s15+$0xFFFFFFE0] =	vst v5  }
0x145: {  	v5 =	vld [tilespmem:s17+$0xFFFFFFD0];
	p0 =	slt.u32 s16, $0x1F8;
	[tilespmem:s15+$0xFFFFFFF0] =	vst v3  }
0x146: {  	v3 =	vld [tilespmem:s17+$0xFFFFFFE0];
	[tilespmem:s15+$0x0] =	vst v0  }
0x147: {  	v0 =	vld [tilespmem:s17+$0xFFFFFFF0];
	[tilespmem:s15+$0x10] =	vst v1  }
0x148: {  	v1 =	vld [tilespmem:s17+$0x0];
	[tilespmem:s15+$0x20] =	vst v2  }
0x149: {  	v2 =	vld [tilespmem:s17+$0x10];
	[tilespmem:s15+$0xFFFFFFC0] =	vst v4  }
0x14a: {  	v4 =	vld [tilespmem:s17+$0x20]  }
0x14b: {  	v7 =	vld [tilespmem:s17+$0xFFFFFFC0]  }
0x14c: {  	v6 =	vld.idx.msk [tilespmem:v6+s20+$0x0], $0xffff  }
0x14d: {  	v8 =	vld.idx.msk [tilespmem:v5+s20+$0x0], $0xffff  }
0x14e: {  	v5 =	vld.idx.msk [tilespmem:v3+s20+$0x0], $0xffff  }
.Ltmp5:
0x14f: {  	v3 =	vld.idx.msk [tilespmem:v0+s20+$0x0], $0xffff;
	(pc) =	sbr.rel @p0 .LBB2_12-.Ltmp5, $4  }
0x150: {  	v0 =	vld.idx.msk [tilespmem:v1+s20+$0x0], $0xffff  }
0x151: {  	s15 =	sadd.s32 $0x80, s15;
	v1 =	vld.idx.msk [tilespmem:v2+s20+$0x0], $0xffff  }
0x152: {  	v2 =	vld.idx.msk [tilespmem:v4+s20+$0x0], $0xffff;
	[tilespmem:s15+$0x30] =	vst v6  }
0x153: {  	s17 =	sadd.s32 $0x80, s17;
	v4 =	vld.idx.msk [tilespmem:v7+s20+$0x0], $0xffff;
	[tilespmem:s15+$0xFFFFFFD0] =	vst v8  }
0x154: {  	[tilespmem:s15+$0xFFFFFFE0] =	vst v5  }
0x155: {  	[tilespmem:s15+$0xFFFFFFF0] =	vst v3  }
0x156: {  	[tilespmem:s15+$0x0] =	vst v0  }
0x157: {  	[tilespmem:s15+$0x10] =	vst v1  }
0x158: {  	[tilespmem:s15+$0x20] =	vst v2  }
0x159: {  	[tilespmem:s15+$0xFFFFFFC0] =	vst v4  }
0x15a: {  	[hbm4b:s26+s5] =	stream.strided.scatter [tilespmem:s11], [sflag:$0x3], $0x2000, s6, s5, $0x38;
	[tilespmem:$0x1E700] =	vst v63  }
0x15b: {  	s15 =	rddreg [dreg:$0xf]  }
0x15c: {  	[tilespmem:s20], [sflag:$0x1] =	stream.strided.gather [hbm4b:s15+s5], $0x18700, s6, s5, $0x38;
	[tilespmem:$0x1E700] =	vst v63  }
0x15d: {  	s16 =	rddreg [dreg:$0x6]  }
0x15e: {  	[tilespmem:s7], [sflag:$0x4] =	stream.strided.gather [hbm4b:s16+s5], $0x2000, s6, s5, $0x38;
	[tilespmem:$0x1E700] =	vst v63  }
0x15f: {  	_ =	swait.ge [sflag:s8], $0x2000  }
0x160: {  	[sflag:s8] =	ssyncset.done $0x0  }
0x161: {  	[sflag:s8] =	ssyncadd.s32 $0xFFFFE000  }
0x162: {  	_ =	swait.ge [sflag:s9], $0x18700  }
0x163: {  	[sflag:s9] =	ssyncset.done $0x0  }
0x164: {  	[sflag:s9] =	ssyncadd.s32 $0xFFFE7900  }
0x165: {  	_ =	swait.ge [sflag:s12], $0x2000  }
0x166: {  	[sflag:s12] =	ssyncset.done $0x0  }
0x167: {  	s17 =	simm.s32 $0x18740;
	[sflag:s12] =	ssyncadd.s32 $0xFFFFE000  }
0x168: {  	v0 =	vld [tilespmem:s17+$0x30]  }
0x169: {  	v1 =	vld [tilespmem:s17+$0xFFFFFFD0]  }
0x16a: {  	v2 =	vld [tilespmem:s17+$0xFFFFFFE0]  }
0x16b: {  	v3 =	vld [tilespmem:s17+$0xFFFFFFF0]  }
0x16c: {  	v4 =	vld [tilespmem:s17+$0x0]  }
0x16d: {  	v6 =	vld [tilespmem:s17+$0x10]  }
0x16e: {  	v7 =	vld [tilespmem:s17+$0x20]  }
0x16f: {  	v8 =	vld [tilespmem:s17+$0xFFFFFFC0]  }
0x170: {  	v9 =	vld.idx.msk [tilespmem:v0+s20+$0x0], $0xffff  }
0x171: {  	v10 =	vld.idx.msk [tilespmem:v1+s20+$0x0], $0xffff  }
0x172: {  	v5 =	vld.idx.msk [tilespmem:v2+s20+$0x0], $0xffff  }
0x173: {  	v3 =	vld.idx.msk [tilespmem:v3+s20+$0x0], $0xffff  }
0x174: {  	v0 =	vld.idx.msk [tilespmem:v4+s20+$0x0], $0xffff  }
0x175: {  	s15 =	simm.s32 $0x1A740;
	v1 =	vld.idx.msk [tilespmem:v6+s20+$0x0], $0xffff  }
0x176: {  	v2 =	vld.idx.msk [tilespmem:v7+s20+$0x0], $0xffff;
	[tilespmem:s15+$0x30] =	vst v9  }
0x177: {  	s16 =	simm.s32 $0x0;
	s17 =	simm.s32 $0x187C0;
	v4 =	vld.idx.msk [tilespmem:v8+s20+$0x0], $0xffff;
	[tilespmem:s15+$0xFFFFFFD0] =	vst v10  }
.LBB2_14:
0x178: {  	v6 =	vld [tilespmem:s17+$0x30];
	s16 =	sadd.s32 $0x8, s16;
	[tilespmem:s15+$0xFFFFFFE0] =	vst v5  }
0x179: {  	v5 =	vld [tilespmem:s17+$0xFFFFFFD0];
	p0 =	slt.u32 s16, $0x1F8;
	[tilespmem:s15+$0xFFFFFFF0] =	vst v3  }
0x17a: {  	v3 =	vld [tilespmem:s17+$0xFFFFFFE0];
	[tilespmem:s15+$0x0] =	vst v0  }
0x17b: {  	v0 =	vld [tilespmem:s17+$0xFFFFFFF0];
	[tilespmem:s15+$0x10] =	vst v1  }
0x17c: {  	v1 =	vld [tilespmem:s17+$0x0];
	[tilespmem:s15+$0x20] =	vst v2  }
0x17d: {  	v2 =	vld [tilespmem:s17+$0x10];
	[tilespmem:s15+$0xFFFFFFC0] =	vst v4  }
0x17e: {  	v4 =	vld [tilespmem:s17+$0x20]  }
0x17f: {  	v7 =	vld [tilespmem:s17+$0xFFFFFFC0]  }
0x180: {  	v6 =	vld.idx.msk [tilespmem:v6+s20+$0x0], $0xffff  }
0x181: {  	v8 =	vld.idx.msk [tilespmem:v5+s20+$0x0], $0xffff  }
0x182: {  	v5 =	vld.idx.msk [tilespmem:v3+s20+$0x0], $0xffff  }
.Ltmp6:
0x183: {  	v3 =	vld.idx.msk [tilespmem:v0+s20+$0x0], $0xffff;
	(pc) =	sbr.rel @p0 .LBB2_14-.Ltmp6, $4  }
0x184: {  	v0 =	vld.idx.msk [tilespmem:v1+s20+$0x0], $0xffff  }
0x185: {  	s15 =	sadd.s32 $0x80, s15;
	v1 =	vld.idx.msk [tilespmem:v2+s20+$0x0], $0xffff  }
0x186: {  	v2 =	vld.idx.msk [tilespmem:v4+s20+$0x0], $0xffff;
	[tilespmem:s15+$0x30] =	vst v6  }
0x187: {  	s17 =	sadd.s32 $0x80, s17;
	v4 =	vld.idx.msk [tilespmem:v7+s20+$0x0], $0xffff;
	[tilespmem:s15+$0xFFFFFFD0] =	vst v8  }
0x188: {  	[tilespmem:s15+$0xFFFFFFE0] =	vst v5  }
0x189: {  	[tilespmem:s15+$0xFFFFFFF0] =	vst v3  }
0x18a: {  	[tilespmem:s15+$0x0] =	vst v0  }
0x18b: {  	[tilespmem:s15+$0x10] =	vst v1  }
0x18c: {  	[tilespmem:s15+$0x20] =	vst v2  }
0x18d: {  	[tilespmem:s15+$0xFFFFFFC0] =	vst v4  }
0x18e: {  	[hbm4b:s28+s5] =	stream.strided.scatter [tilespmem:s10], [sflag:$0x2], $0x2000, s6, s5, $0x38;
	[tilespmem:$0x1E700] =	vst v63  }
0x18f: {  	s15 =	rddreg [dreg:$0x7]  }
0x190: {  	[tilespmem:s7], [sflag:$0x4] =	stream.strided.gather [hbm4b:s15+s5], $0x2000, s6, s5, $0x38;
	[tilespmem:$0x1E700] =	vst v63  }
0x191: {  	_ =	swait.ge [sflag:s8], $0x2000  }
0x192: {  	[sflag:s8] =	ssyncset.done $0x0  }
0x193: {  	[sflag:s8] =	ssyncadd.s32 $0xFFFFE000  }
0x194: {  	_ =	swait.ge [sflag:s13], $0x2000  }
0x195: {  	[sflag:s13] =	ssyncset.done $0x0  }
0x196: {  	s17 =	simm.s32 $0x18740;
	[sflag:s13] =	ssyncadd.s32 $0xFFFFE000  }
0x197: {  	v0 =	vld [tilespmem:s17+$0x30]  }
0x198: {  	v1 =	vld [tilespmem:s17+$0xFFFFFFD0]  }
0x199: {  	v2 =	vld [tilespmem:s17+$0xFFFFFFE0]  }
0x19a: {  	v3 =	vld [tilespmem:s17+$0xFFFFFFF0]  }
0x19b: {  	v4 =	vld [tilespmem:s17+$0x0]  }
0x19c: {  	v6 =	vld [tilespmem:s17+$0x10]  }
0x19d: {  	v7 =	vld [tilespmem:s17+$0x20]  }
0x19e: {  	v8 =	vld [tilespmem:s17+$0xFFFFFFC0]  }
0x19f: {  	v9 =	vld.idx.msk [tilespmem:v0+s20+$0x0], $0xffff  }
0x1a0: {  	v10 =	vld.idx.msk [tilespmem:v1+s20+$0x0], $0xffff  }
0x1a1: {  	v5 =	vld.idx.msk [tilespmem:v2+s20+$0x0], $0xffff  }
0x1a2: {  	v3 =	vld.idx.msk [tilespmem:v3+s20+$0x0], $0xffff  }
0x1a3: {  	v0 =	vld.idx.msk [tilespmem:v4+s20+$0x0], $0xffff  }
0x1a4: {  	s15 =	simm.s32 $0x1C740;
	v1 =	vld.idx.msk [tilespmem:v6+s20+$0x0], $0xffff  }
0x1a5: {  	v2 =	vld.idx.msk [tilespmem:v7+s20+$0x0], $0xffff;
	[tilespmem:s15+$0x30] =	vst v9  }
0x1a6: {  	s16 =	simm.s32 $0x0;
	s17 =	simm.s32 $0x187C0;
	v4 =	vld.idx.msk [tilespmem:v8+s20+$0x0], $0xffff;
	[tilespmem:s15+$0xFFFFFFD0] =	vst v10  }
.LBB2_16:
0x1a7: {  	v6 =	vld [tilespmem:s17+$0x30];
	s16 =	sadd.s32 $0x8, s16;
	[tilespmem:s15+$0xFFFFFFE0] =	vst v5  }
0x1a8: {  	v5 =	vld [tilespmem:s17+$0xFFFFFFD0];
	p0 =	slt.u32 s16, $0x1F8;
	[tilespmem:s15+$0xFFFFFFF0] =	vst v3  }
0x1a9: {  	v3 =	vld [tilespmem:s17+$0xFFFFFFE0];
	[tilespmem:s15+$0x0] =	vst v0  }
0x1aa: {  	v0 =	vld [tilespmem:s17+$0xFFFFFFF0];
	[tilespmem:s15+$0x10] =	vst v1  }
0x1ab: {  	v1 =	vld [tilespmem:s17+$0x0];
	[tilespmem:s15+$0x20] =	vst v2  }
0x1ac: {  	v2 =	vld [tilespmem:s17+$0x10];
	[tilespmem:s15+$0xFFFFFFC0] =	vst v4  }
0x1ad: {  	v4 =	vld [tilespmem:s17+$0x20]  }
0x1ae: {  	v7 =	vld [tilespmem:s17+$0xFFFFFFC0]  }
0x1af: {  	v6 =	vld.idx.msk [tilespmem:v6+s20+$0x0], $0xffff  }
0x1b0: {  	v8 =	vld.idx.msk [tilespmem:v5+s20+$0x0], $0xffff  }
0x1b1: {  	v5 =	vld.idx.msk [tilespmem:v3+s20+$0x0], $0xffff  }
.Ltmp7:
0x1b2: {  	v3 =	vld.idx.msk [tilespmem:v0+s20+$0x0], $0xffff;
	(pc) =	sbr.rel @p0 .LBB2_16-.Ltmp7, $4  }
0x1b3: {  	v0 =	vld.idx.msk [tilespmem:v1+s20+$0x0], $0xffff  }
0x1b4: {  	s15 =	sadd.s32 $0x80, s15;
	v1 =	vld.idx.msk [tilespmem:v2+s20+$0x0], $0xffff  }
0x1b5: {  	v2 =	vld.idx.msk [tilespmem:v4+s20+$0x0], $0xffff;
	[tilespmem:s15+$0x30] =	vst v6  }
0x1b6: {  	s17 =	sadd.s32 $0x80, s17;
	v4 =	vld.idx.msk [tilespmem:v7+s20+$0x0], $0xffff;
	[tilespmem:s15+$0xFFFFFFD0] =	vst v8  }
0x1b7: {  	[tilespmem:s15+$0xFFFFFFE0] =	vst v5  }
0x1b8: {  	[tilespmem:s15+$0xFFFFFFF0] =	vst v3  }
0x1b9: {  	[tilespmem:s15+$0x0] =	vst v0  }
0x1ba: {  	[tilespmem:s15+$0x10] =	vst v1  }
0x1bb: {  	[tilespmem:s15+$0x20] =	vst v2  }
0x1bc: {  	[tilespmem:s15+$0xFFFFFFC0] =	vst v4  }
0x1bd: {  	[hbm4b:s29+s5] =	stream.strided.scatter [tilespmem:s11], [sflag:$0x3], $0x2000, s6, s5, $0x38;
	[tilespmem:$0x1E700] =	vst v63  }
0x1be: {  	s15 =	rddreg [dreg:$0x10]  }
0x1bf: {  	[tilespmem:s20], [sflag:$0x1] =	stream.strided.gather [hbm4b:s15+s5], $0x18700, s6, s5, $0x38;
	[tilespmem:$0x1E700] =	vst v63  }
0x1c0: {  	s16 =	rddreg [dreg:$0x8]  }
0x1c1: {  	[tilespmem:s7], [sflag:$0x4] =	stream.strided.gather [hbm4b:s16+s5], $0x2000, s6, s5, $0x38;
	[tilespmem:$0x1E700] =	vst v63  }
0x1c2: {  	_ =	swait.ge [sflag:s8], $0x2000  }
0x1c3: {  	[sflag:s8] =	ssyncset.done $0x0  }
0x1c4: {  	[sflag:s8] =	ssyncadd.s32 $0xFFFFE000  }
0x1c5: {  	_ =	swait.ge [sflag:s9], $0x18700  }
0x1c6: {  	[sflag:s9] =	ssyncset.done $0x0  }
0x1c7: {  	[sflag:s9] =	ssyncadd.s32 $0xFFFE7900  }
0x1c8: {  	_ =	swait.ge [sflag:s12], $0x2000  }
0x1c9: {  	[sflag:s12] =	ssyncset.done $0x0  }
0x1ca: {  	s17 =	simm.s32 $0x18740;
	[sflag:s12] =	ssyncadd.s32 $0xFFFFE000  }
0x1cb: {  	v0 =	vld [tilespmem:s17+$0x30]  }
0x1cc: {  	v1 =	vld [tilespmem:s17+$0xFFFFFFD0]  }
0x1cd: {  	v2 =	vld [tilespmem:s17+$0xFFFFFFE0]  }
0x1ce: {  	v3 =	vld [tilespmem:s17+$0xFFFFFFF0]  }
0x1cf: {  	v4 =	vld [tilespmem:s17+$0x0]  }
0x1d0: {  	v6 =	vld [tilespmem:s17+$0x10]  }
0x1d1: {  	v7 =	vld [tilespmem:s17+$0x20]  }
0x1d2: {  	v8 =	vld [tilespmem:s17+$0xFFFFFFC0]  }
0x1d3: {  	v9 =	vld.idx.msk [tilespmem:v0+s20+$0x0], $0xffff  }
0x1d4: {  	v10 =	vld.idx.msk [tilespmem:v1+s20+$0x0], $0xffff  }
0x1d5: {  	v5 =	vld.idx.msk [tilespmem:v2+s20+$0x0], $0xffff  }
0x1d6: {  	v3 =	vld.idx.msk [tilespmem:v3+s20+$0x0], $0xffff  }
0x1d7: {  	v0 =	vld.idx.msk [tilespmem:v4+s20+$0x0], $0xffff  }
0x1d8: {  	s15 =	simm.s32 $0x1A740;
	v1 =	vld.idx.msk [tilespmem:v6+s20+$0x0], $0xffff  }
0x1d9: {  	v2 =	vld.idx.msk [tilespmem:v7+s20+$0x0], $0xffff;
	[tilespmem:s15+$0x30] =	vst v9  }
0x1da: {  	s16 =	simm.s32 $0x0;
	s17 =	simm.s32 $0x187C0;
	v4 =	vld.idx.msk [tilespmem:v8+s20+$0x0], $0xffff;
	[tilespmem:s15+$0xFFFFFFD0] =	vst v10  }
.LBB2_18:
0x1db: {  	v6 =	vld [tilespmem:s17+$0x30];
	s16 =	sadd.s32 $0x8, s16;
	[tilespmem:s15+$0xFFFFFFE0] =	vst v5  }
0x1dc: {  	v5 =	vld [tilespmem:s17+$0xFFFFFFD0];
	p0 =	slt.u32 s16, $0x1F8;
	[tilespmem:s15+$0xFFFFFFF0] =	vst v3  }
0x1dd: {  	v3 =	vld [tilespmem:s17+$0xFFFFFFE0];
	[tilespmem:s15+$0x0] =	vst v0  }
0x1de: {  	v0 =	vld [tilespmem:s17+$0xFFFFFFF0];
	[tilespmem:s15+$0x10] =	vst v1  }
0x1df: {  	v1 =	vld [tilespmem:s17+$0x0];
	[tilespmem:s15+$0x20] =	vst v2  }
0x1e0: {  	v2 =	vld [tilespmem:s17+$0x10];
	[tilespmem:s15+$0xFFFFFFC0] =	vst v4  }
0x1e1: {  	v4 =	vld [tilespmem:s17+$0x20]  }
0x1e2: {  	v7 =	vld [tilespmem:s17+$0xFFFFFFC0]  }
0x1e3: {  	v6 =	vld.idx.msk [tilespmem:v6+s20+$0x0], $0xffff  }
0x1e4: {  	v8 =	vld.idx.msk [tilespmem:v5+s20+$0x0], $0xffff  }
0x1e5: {  	v5 =	vld.idx.msk [tilespmem:v3+s20+$0x0], $0xffff  }
.Ltmp8:
0x1e6: {  	v3 =	vld.idx.msk [tilespmem:v0+s20+$0x0], $0xffff;
	(pc) =	sbr.rel @p0 .LBB2_18-.Ltmp8, $4  }
0x1e7: {  	v0 =	vld.idx.msk [tilespmem:v1+s20+$0x0], $0xffff  }
0x1e8: {  	s15 =	sadd.s32 $0x80, s15;
	v1 =	vld.idx.msk [tilespmem:v2+s20+$0x0], $0xffff  }
0x1e9: {  	v2 =	vld.idx.msk [tilespmem:v4+s20+$0x0], $0xffff;
	[tilespmem:s15+$0x30] =	vst v6  }
0x1ea: {  	s17 =	sadd.s32 $0x80, s17;
	v4 =	vld.idx.msk [tilespmem:v7+s20+$0x0], $0xffff;
	[tilespmem:s15+$0xFFFFFFD0] =	vst v8  }
0x1eb: {  	[tilespmem:s15+$0xFFFFFFE0] =	vst v5  }
0x1ec: {  	[tilespmem:s15+$0xFFFFFFF0] =	vst v3  }
0x1ed: {  	[tilespmem:s15+$0x0] =	vst v0  }
0x1ee: {  	[tilespmem:s15+$0x10] =	vst v1  }
0x1ef: {  	[tilespmem:s15+$0x20] =	vst v2  }
0x1f0: {  	[tilespmem:s15+$0xFFFFFFC0] =	vst v4  }
0x1f1: {  	[hbm4b:s31+s5] =	stream.strided.scatter [tilespmem:s10], [sflag:$0x2], $0x2000, s6, s5, $0x38;
	[tilespmem:$0x1E700] =	vst v63  }
0x1f2: {  	s15 =	rddreg [dreg:$0x9]  }
0x1f3: {  	[tilespmem:s7], [sflag:$0x4] =	stream.strided.gather [hbm4b:s15+s5], $0x2000, s6, s5, $0x38;
	[tilespmem:$0x1E700] =	vst v63  }
0x1f4: {  	_ =	swait.ge [sflag:s8], $0x2000  }
0x1f5: {  	[sflag:s8] =	ssyncset.done $0x0  }
0x1f6: {  	[sflag:s8] =	ssyncadd.s32 $0xFFFFE000  }
0x1f7: {  	_ =	swait.ge [sflag:s13], $0x2000  }
0x1f8: {  	[sflag:s13] =	ssyncset.done $0x0  }
0x1f9: {  	s17 =	simm.s32 $0x18740;
	[sflag:s13] =	ssyncadd.s32 $0xFFFFE000  }
0x1fa: {  	v0 =	vld [tilespmem:s17+$0x30]  }
0x1fb: {  	v1 =	vld [tilespmem:s17+$0xFFFFFFD0]  }
0x1fc: {  	v2 =	vld [tilespmem:s17+$0xFFFFFFE0]  }
0x1fd: {  	v3 =	vld [tilespmem:s17+$0xFFFFFFF0]  }
0x1fe: {  	v4 =	vld [tilespmem:s17+$0x0]  }
0x1ff: {  	v6 =	vld [tilespmem:s17+$0x10]  }
0x200: {  	v7 =	vld [tilespmem:s17+$0x20]  }
0x201: {  	v8 =	vld [tilespmem:s17+$0xFFFFFFC0]  }
0x202: {  	v9 =	vld.idx.msk [tilespmem:v0+s20+$0x0], $0xffff  }
0x203: {  	v10 =	vld.idx.msk [tilespmem:v1+s20+$0x0], $0xffff  }
0x204: {  	v5 =	vld.idx.msk [tilespmem:v2+s20+$0x0], $0xffff  }
0x205: {  	v3 =	vld.idx.msk [tilespmem:v3+s20+$0x0], $0xffff  }
0x206: {  	v0 =	vld.idx.msk [tilespmem:v4+s20+$0x0], $0xffff  }
0x207: {  	s15 =	simm.s32 $0x1C740;
	v1 =	vld.idx.msk [tilespmem:v6+s20+$0x0], $0xffff  }
0x208: {  	v2 =	vld.idx.msk [tilespmem:v7+s20+$0x0], $0xffff;
	[tilespmem:s15+$0x30] =	vst v9  }
0x209: {  	s16 =	simm.s32 $0x0;
	s17 =	simm.s32 $0x187C0;
	v4 =	vld.idx.msk [tilespmem:v8+s20+$0x0], $0xffff;
	[tilespmem:s15+$0xFFFFFFD0] =	vst v10  }
.LBB2_20:
0x20a: {  	v6 =	vld [tilespmem:s17+$0x30];
	s16 =	sadd.s32 $0x8, s16;
	[tilespmem:s15+$0xFFFFFFE0] =	vst v5  }
0x20b: {  	v5 =	vld [tilespmem:s17+$0xFFFFFFD0];
	p0 =	slt.u32 s16, $0x1F8;
	[tilespmem:s15+$0xFFFFFFF0] =	vst v3  }
0x20c: {  	v3 =	vld [tilespmem:s17+$0xFFFFFFE0];
	[tilespmem:s15+$0x0] =	vst v0  }
0x20d: {  	v0 =	vld [tilespmem:s17+$0xFFFFFFF0];
	[tilespmem:s15+$0x10] =	vst v1  }
0x20e: {  	v1 =	vld [tilespmem:s17+$0x0];
	[tilespmem:s15+$0x20] =	vst v2  }
0x20f: {  	v2 =	vld [tilespmem:s17+$0x10];
	[tilespmem:s15+$0xFFFFFFC0] =	vst v4  }
0x210: {  	v4 =	vld [tilespmem:s17+$0x20]  }
0x211: {  	v7 =	vld [tilespmem:s17+$0xFFFFFFC0]  }
0x212: {  	v6 =	vld.idx.msk [tilespmem:v6+s20+$0x0], $0xffff  }
0x213: {  	v8 =	vld.idx.msk [tilespmem:v5+s20+$0x0], $0xffff  }
0x214: {  	v5 =	vld.idx.msk [tilespmem:v3+s20+$0x0], $0xffff  }
.Ltmp9:
0x215: {  	v3 =	vld.idx.msk [tilespmem:v0+s20+$0x0], $0xffff;
	(pc) =	sbr.rel @p0 .LBB2_20-.Ltmp9, $4  }
0x216: {  	v0 =	vld.idx.msk [tilespmem:v1+s20+$0x0], $0xffff  }
0x217: {  	s15 =	sadd.s32 $0x80, s15;
	v1 =	vld.idx.msk [tilespmem:v2+s20+$0x0], $0xffff  }
0x218: {  	v2 =	vld.idx.msk [tilespmem:v4+s20+$0x0], $0xffff;
	[tilespmem:s15+$0x30] =	vst v6  }
0x219: {  	s17 =	sadd.s32 $0x80, s17;
	v4 =	vld.idx.msk [tilespmem:v7+s20+$0x0], $0xffff;
	[tilespmem:s15+$0xFFFFFFD0] =	vst v8  }
0x21a: {  	[tilespmem:s15+$0xFFFFFFE0] =	vst v5  }
0x21b: {  	[tilespmem:s15+$0xFFFFFFF0] =	vst v3  }
0x21c: {  	[tilespmem:s15+$0x0] =	vst v0  }
0x21d: {  	[tilespmem:s15+$0x10] =	vst v1  }
0x21e: {  	[tilespmem:s15+$0x20] =	vst v2  }
0x21f: {  	[tilespmem:s15+$0xFFFFFFC0] =	vst v4  }
0x220: {  	[hbm4b:s30+s5] =	stream.strided.scatter [tilespmem:s11], [sflag:$0x3], $0x2000, s6, s5, $0x38;
	[tilespmem:$0x1E700] =	vst v63  }
0x221: {  	s15 =	rddreg [dreg:$0x11]  }
0x222: {  	[tilespmem:s20], [sflag:$0x1] =	stream.strided.gather [hbm4b:s15+s5], $0x18700, s6, s5, $0x38;
	[tilespmem:$0x1E700] =	vst v63  }
0x223: {  	s16 =	rddreg [dreg:$0xa]  }
0x224: {  	[tilespmem:s7], [sflag:$0x4] =	stream.strided.gather [hbm4b:s16+s5], $0x2000, s6, s5, $0x38;
	[tilespmem:$0x1E700] =	vst v63  }
0x225: {  	_ =	swait.ge [sflag:s8], $0x2000  }
0x226: {  	[sflag:s8] =	ssyncset.done $0x0  }
0x227: {  	[sflag:s8] =	ssyncadd.s32 $0xFFFFE000  }
0x228: {  	_ =	swait.ge [sflag:s9], $0x18700  }
0x229: {  	[sflag:s9] =	ssyncset.done $0x0  }
0x22a: {  	[sflag:s9] =	ssyncadd.s32 $0xFFFE7900  }
0x22b: {  	_ =	swait.ge [sflag:s12], $0x2000  }
0x22c: {  	[sflag:s12] =	ssyncset.done $0x0  }
0x22d: {  	s17 =	simm.s32 $0x18740;
	[sflag:s12] =	ssyncadd.s32 $0xFFFFE000  }
0x22e: {  	v0 =	vld [tilespmem:s17+$0x30]  }
0x22f: {  	v1 =	vld [tilespmem:s17+$0xFFFFFFD0]  }
0x230: {  	v2 =	vld [tilespmem:s17+$0xFFFFFFE0]  }
0x231: {  	v3 =	vld [tilespmem:s17+$0xFFFFFFF0]  }
0x232: {  	v4 =	vld [tilespmem:s17+$0x0]  }
0x233: {  	v6 =	vld [tilespmem:s17+$0x10]  }
0x234: {  	v7 =	vld [tilespmem:s17+$0x20]  }
0x235: {  	v8 =	vld [tilespmem:s17+$0xFFFFFFC0]  }
0x236: {  	v9 =	vld.idx.msk [tilespmem:v0+s20+$0x0], $0xffff  }
0x237: {  	v10 =	vld.idx.msk [tilespmem:v1+s20+$0x0], $0xffff  }
0x238: {  	v5 =	vld.idx.msk [tilespmem:v2+s20+$0x0], $0xffff  }
0x239: {  	v3 =	vld.idx.msk [tilespmem:v3+s20+$0x0], $0xffff  }
0x23a: {  	v0 =	vld.idx.msk [tilespmem:v4+s20+$0x0], $0xffff  }
0x23b: {  	s15 =	simm.s32 $0x1A740;
	v1 =	vld.idx.msk [tilespmem:v6+s20+$0x0], $0xffff  }
0x23c: {  	v2 =	vld.idx.msk [tilespmem:v7+s20+$0x0], $0xffff;
	[tilespmem:s15+$0x30] =	vst v9  }
0x23d: {  	s16 =	simm.s32 $0x0;
	s17 =	simm.s32 $0x187C0;
	v4 =	vld.idx.msk [tilespmem:v8+s20+$0x0], $0xffff;
	[tilespmem:s15+$0xFFFFFFD0] =	vst v10  }
.LBB2_22:
0x23e: {  	v6 =	vld [tilespmem:s17+$0x30];
	s16 =	sadd.s32 $0x8, s16;
	[tilespmem:s15+$0xFFFFFFE0] =	vst v5  }
0x23f: {  	v5 =	vld [tilespmem:s17+$0xFFFFFFD0];
	p0 =	slt.u32 s16, $0x1F8;
	[tilespmem:s15+$0xFFFFFFF0] =	vst v3  }
0x240: {  	v3 =	vld [tilespmem:s17+$0xFFFFFFE0];
	[tilespmem:s15+$0x0] =	vst v0  }
0x241: {  	v0 =	vld [tilespmem:s17+$0xFFFFFFF0];
	[tilespmem:s15+$0x10] =	vst v1  }
0x242: {  	v1 =	vld [tilespmem:s17+$0x0];
	[tilespmem:s15+$0x20] =	vst v2  }
0x243: {  	v2 =	vld [tilespmem:s17+$0x10];
	[tilespmem:s15+$0xFFFFFFC0] =	vst v4  }
0x244: {  	v4 =	vld [tilespmem:s17+$0x20]  }
0x245: {  	v7 =	vld [tilespmem:s17+$0xFFFFFFC0]  }
0x246: {  	v6 =	vld.idx.msk [tilespmem:v6+s20+$0x0], $0xffff  }
0x247: {  	v8 =	vld.idx.msk [tilespmem:v5+s20+$0x0], $0xffff  }
0x248: {  	v5 =	vld.idx.msk [tilespmem:v3+s20+$0x0], $0xffff  }
.Ltmp10:
0x249: {  	v3 =	vld.idx.msk [tilespmem:v0+s20+$0x0], $0xffff;
	(pc) =	sbr.rel @p0 .LBB2_22-.Ltmp10, $4  }
0x24a: {  	v0 =	vld.idx.msk [tilespmem:v1+s20+$0x0], $0xffff  }
0x24b: {  	s15 =	sadd.s32 $0x80, s15;
	v1 =	vld.idx.msk [tilespmem:v2+s20+$0x0], $0xffff  }
0x24c: {  	v2 =	vld.idx.msk [tilespmem:v4+s20+$0x0], $0xffff;
	[tilespmem:s15+$0x30] =	vst v6  }
0x24d: {  	s17 =	sadd.s32 $0x80, s17;
	v4 =	vld.idx.msk [tilespmem:v7+s20+$0x0], $0xffff;
	[tilespmem:s15+$0xFFFFFFD0] =	vst v8  }
0x24e: {  	[tilespmem:s15+$0xFFFFFFE0] =	vst v5  }
0x24f: {  	[tilespmem:s15+$0xFFFFFFF0] =	vst v3  }
0x250: {  	[tilespmem:s15+$0x0] =	vst v0  }
0x251: {  	[tilespmem:s15+$0x10] =	vst v1  }
0x252: {  	[tilespmem:s15+$0x20] =	vst v2  }
0x253: {  	[tilespmem:s15+$0xFFFFFFC0] =	vst v4  }
0x254: {  	[hbm4b:s1+s5] =	stream.strided.scatter [tilespmem:s10], [sflag:$0x2], $0x2000, s6, s5, $0x38;
	[tilespmem:$0x1E700] =	vst v63  }
0x255: {  	s15 =	rddreg [dreg:$0xb]  }
0x256: {  	[tilespmem:s7], [sflag:$0x4] =	stream.strided.gather [hbm4b:s15+s5], $0x2000, s6, s5, $0x38;
	[tilespmem:$0x1E700] =	vst v63  }
0x257: {  	_ =	swait.ge [sflag:s8], $0x2000  }
0x258: {  	[sflag:s8] =	ssyncset.done $0x0  }
0x259: {  	[sflag:s8] =	ssyncadd.s32 $0xFFFFE000  }
0x25a: {  	_ =	swait.ge [sflag:s13], $0x2000  }
0x25b: {  	[sflag:s13] =	ssyncset.done $0x0  }
0x25c: {  	s17 =	simm.s32 $0x18740;
	[sflag:s13] =	ssyncadd.s32 $0xFFFFE000  }
0x25d: {  	v0 =	vld [tilespmem:s17+$0x30]  }
0x25e: {  	v1 =	vld [tilespmem:s17+$0xFFFFFFD0]  }
0x25f: {  	v2 =	vld [tilespmem:s17+$0xFFFFFFE0]  }
0x260: {  	v3 =	vld [tilespmem:s17+$0xFFFFFFF0]  }
0x261: {  	v4 =	vld [tilespmem:s17+$0x0]  }
0x262: {  	v6 =	vld [tilespmem:s17+$0x10]  }
0x263: {  	v7 =	vld [tilespmem:s17+$0x20]  }
0x264: {  	v8 =	vld [tilespmem:s17+$0xFFFFFFC0]  }
0x265: {  	v9 =	vld.idx.msk [tilespmem:v0+s20+$0x0], $0xffff  }
0x266: {  	v10 =	vld.idx.msk [tilespmem:v1+s20+$0x0], $0xffff  }
0x267: {  	v5 =	vld.idx.msk [tilespmem:v2+s20+$0x0], $0xffff  }
0x268: {  	v3 =	vld.idx.msk [tilespmem:v3+s20+$0x0], $0xffff  }
0x269: {  	v0 =	vld.idx.msk [tilespmem:v4+s20+$0x0], $0xffff  }
0x26a: {  	s15 =	simm.s32 $0x1C740;
	v1 =	vld.idx.msk [tilespmem:v6+s20+$0x0], $0xffff  }
0x26b: {  	v2 =	vld.idx.msk [tilespmem:v7+s20+$0x0], $0xffff;
	[tilespmem:s15+$0x30] =	vst v9  }
0x26c: {  	s16 =	simm.s32 $0x0;
	s17 =	simm.s32 $0x187C0;
	v4 =	vld.idx.msk [tilespmem:v8+s20+$0x0], $0xffff;
	[tilespmem:s15+$0xFFFFFFD0] =	vst v10  }
.LBB2_24:
0x26d: {  	v6 =	vld [tilespmem:s17+$0x30];
	s16 =	sadd.s32 $0x8, s16;
	[tilespmem:s15+$0xFFFFFFE0] =	vst v5  }
0x26e: {  	v5 =	vld [tilespmem:s17+$0xFFFFFFD0];
	p0 =	slt.u32 s16, $0x1F8;
	[tilespmem:s15+$0xFFFFFFF0] =	vst v3  }
0x26f: {  	v3 =	vld [tilespmem:s17+$0xFFFFFFE0];
	[tilespmem:s15+$0x0] =	vst v0  }
0x270: {  	v0 =	vld [tilespmem:s17+$0xFFFFFFF0];
	[tilespmem:s15+$0x10] =	vst v1  }
0x271: {  	v1 =	vld [tilespmem:s17+$0x0];
	[tilespmem:s15+$0x20] =	vst v2  }
0x272: {  	v2 =	vld [tilespmem:s17+$0x10];
	[tilespmem:s15+$0xFFFFFFC0] =	vst v4  }
0x273: {  	v4 =	vld [tilespmem:s17+$0x20]  }
0x274: {  	v7 =	vld [tilespmem:s17+$0xFFFFFFC0]  }
0x275: {  	v6 =	vld.idx.msk [tilespmem:v6+s20+$0x0], $0xffff  }
0x276: {  	v8 =	vld.idx.msk [tilespmem:v5+s20+$0x0], $0xffff  }
0x277: {  	v5 =	vld.idx.msk [tilespmem:v3+s20+$0x0], $0xffff  }
.Ltmp11:
0x278: {  	v3 =	vld.idx.msk [tilespmem:v0+s20+$0x0], $0xffff;
	(pc) =	sbr.rel @p0 .LBB2_24-.Ltmp11, $4  }
0x279: {  	v0 =	vld.idx.msk [tilespmem:v1+s20+$0x0], $0xffff  }
0x27a: {  	s15 =	sadd.s32 $0x80, s15;
	v1 =	vld.idx.msk [tilespmem:v2+s20+$0x0], $0xffff  }
0x27b: {  	v2 =	vld.idx.msk [tilespmem:v4+s20+$0x0], $0xffff;
	[tilespmem:s15+$0x30] =	vst v6  }
0x27c: {  	s17 =	sadd.s32 $0x80, s17;
	v4 =	vld.idx.msk [tilespmem:v7+s20+$0x0], $0xffff;
	[tilespmem:s15+$0xFFFFFFD0] =	vst v8  }
0x27d: {  	[tilespmem:s15+$0xFFFFFFE0] =	vst v5  }
0x27e: {  	[tilespmem:s15+$0xFFFFFFF0] =	vst v3  }
0x27f: {  	[tilespmem:s15+$0x0] =	vst v0  }
0x280: {  	[tilespmem:s15+$0x10] =	vst v1  }
0x281: {  	[tilespmem:s15+$0x20] =	vst v2  }
0x282: {  	[tilespmem:s15+$0xFFFFFFC0] =	vst v4  }
0x283: {  	[hbm4b:s0+s5] =	stream.strided.scatter [tilespmem:s11], [sflag:$0x3], $0x2000, s6, s5, $0x38;
	[tilespmem:$0x1E700] =	vst v63  }
0x284: {  	s15 =	rddreg [dreg:$0x12]  }
0x285: {  	[tilespmem:s20], [sflag:$0x1] =	stream.strided.gather [hbm4b:s15+s5], $0x18700, s6, s5, $0x38;
	[tilespmem:$0x1E700] =	vst v63  }
0x286: {  	_ = 	snop  }
0x287: {  	[tilespmem:s7], [sflag:$0x4] =	stream.strided.gather [hbm4b:s3+s5], $0x2000, s6, s5, $0x38;
	[tilespmem:$0x1E700] =	vst v63  }
0x288: {  	_ =	swait.ge [sflag:s8], $0x2000  }
0x289: {  	[sflag:s8] =	ssyncset.done $0x0  }
0x28a: {  	[sflag:s8] =	ssyncadd.s32 $0xFFFFE000  }
0x28b: {  	_ =	swait.ge [sflag:s9], $0x18700  }
0x28c: {  	[sflag:s9] =	ssyncset.done $0x0  }
0x28d: {  	[sflag:s9] =	ssyncadd.s32 $0xFFFE7900  }
0x28e: {  	_ =	swait.ge [sflag:s12], $0x2000  }
0x28f: {  	[sflag:s12] =	ssyncset.done $0x0  }
0x290: {  	s17 =	simm.s32 $0x18740;
	[sflag:s12] =	ssyncadd.s32 $0xFFFFE000  }
0x291: {  	v0 =	vld [tilespmem:s17+$0x30]  }
0x292: {  	v1 =	vld [tilespmem:s17+$0xFFFFFFD0]  }
0x293: {  	v2 =	vld [tilespmem:s17+$0xFFFFFFE0]  }
0x294: {  	v3 =	vld [tilespmem:s17+$0xFFFFFFF0]  }
0x295: {  	v4 =	vld [tilespmem:s17+$0x0]  }
0x296: {  	v6 =	vld [tilespmem:s17+$0x10]  }
0x297: {  	v7 =	vld [tilespmem:s17+$0x20]  }
0x298: {  	v8 =	vld [tilespmem:s17+$0xFFFFFFC0]  }
0x299: {  	v9 =	vld.idx.msk [tilespmem:v0+s20+$0x0], $0xffff  }
0x29a: {  	v10 =	vld.idx.msk [tilespmem:v1+s20+$0x0], $0xffff  }
0x29b: {  	v5 =	vld.idx.msk [tilespmem:v2+s20+$0x0], $0xffff  }
0x29c: {  	v3 =	vld.idx.msk [tilespmem:v3+s20+$0x0], $0xffff  }
0x29d: {  	v0 =	vld.idx.msk [tilespmem:v4+s20+$0x0], $0xffff  }
0x29e: {  	s15 =	simm.s32 $0x1A740;
	v1 =	vld.idx.msk [tilespmem:v6+s20+$0x0], $0xffff  }
0x29f: {  	v2 =	vld.idx.msk [tilespmem:v7+s20+$0x0], $0xffff;
	[tilespmem:s15+$0x30] =	vst v9  }
0x2a0: {  	s16 =	simm.s32 $0x0;
	s17 =	simm.s32 $0x187C0;
	v4 =	vld.idx.msk [tilespmem:v8+s20+$0x0], $0xffff;
	[tilespmem:s15+$0xFFFFFFD0] =	vst v10  }
.LBB2_26:
0x2a1: {  	v6 =	vld [tilespmem:s17+$0x30];
	s16 =	sadd.s32 $0x8, s16;
	[tilespmem:s15+$0xFFFFFFE0] =	vst v5  }
0x2a2: {  	v5 =	vld [tilespmem:s17+$0xFFFFFFD0];
	p0 =	slt.u32 s16, $0x1F8;
	[tilespmem:s15+$0xFFFFFFF0] =	vst v3  }
0x2a3: {  	v3 =	vld [tilespmem:s17+$0xFFFFFFE0];
	[tilespmem:s15+$0x0] =	vst v0  }
0x2a4: {  	v0 =	vld [tilespmem:s17+$0xFFFFFFF0];
	[tilespmem:s15+$0x10] =	vst v1  }
0x2a5: {  	v1 =	vld [tilespmem:s17+$0x0];
	[tilespmem:s15+$0x20] =	vst v2  }
0x2a6: {  	v2 =	vld [tilespmem:s17+$0x10];
	[tilespmem:s15+$0xFFFFFFC0] =	vst v4  }
0x2a7: {  	v4 =	vld [tilespmem:s17+$0x20]  }
0x2a8: {  	v7 =	vld [tilespmem:s17+$0xFFFFFFC0]  }
0x2a9: {  	v6 =	vld.idx.msk [tilespmem:v6+s20+$0x0], $0xffff  }
0x2aa: {  	v8 =	vld.idx.msk [tilespmem:v5+s20+$0x0], $0xffff  }
0x2ab: {  	v5 =	vld.idx.msk [tilespmem:v3+s20+$0x0], $0xffff  }
.Ltmp12:
0x2ac: {  	v3 =	vld.idx.msk [tilespmem:v0+s20+$0x0], $0xffff;
	(pc) =	sbr.rel @p0 .LBB2_26-.Ltmp12, $4  }
0x2ad: {  	v0 =	vld.idx.msk [tilespmem:v1+s20+$0x0], $0xffff  }
0x2ae: {  	s15 =	sadd.s32 $0x80, s15;
	v1 =	vld.idx.msk [tilespmem:v2+s20+$0x0], $0xffff  }
0x2af: {  	v2 =	vld.idx.msk [tilespmem:v4+s20+$0x0], $0xffff;
	[tilespmem:s15+$0x30] =	vst v6  }
0x2b0: {  	s17 =	sadd.s32 $0x80, s17;
	v4 =	vld.idx.msk [tilespmem:v7+s20+$0x0], $0xffff;
	[tilespmem:s15+$0xFFFFFFD0] =	vst v8  }
0x2b1: {  	[tilespmem:s15+$0xFFFFFFE0] =	vst v5  }
0x2b2: {  	[tilespmem:s15+$0xFFFFFFF0] =	vst v3  }
0x2b3: {  	[tilespmem:s15+$0x0] =	vst v0  }
0x2b4: {  	[tilespmem:s15+$0x10] =	vst v1  }
0x2b5: {  	[tilespmem:s15+$0x20] =	vst v2  }
0x2b6: {  	s14 =	sadd.s32 $0x1, s14;
	[tilespmem:s15+$0xFFFFFFC0] =	vst v4  }
0x2b7: {  	[hbm4b:s2+s5] =	stream.strided.scatter [tilespmem:s10], [sflag:$0x2], $0x2000, s6, s5, $0x38;
	[tilespmem:$0x1E700] =	vst v63  }
0x2b8: {  	p0 =	sne.s32 s14, s4;
	_ =	swait.ge [sflag:s12], $0x2000  }
.Ltmp13:
0x2b9: {  	[sflag:s12] =	ssyncset.done $0x0;
	(pc) =	sbr.rel @p0 .LBB2_1-.Ltmp13, $4  }
0x2ba: {  	[sflag:s12] =	ssyncadd.s32 $0xFFFFE000  }
0x2bb: {  	_ =	swait.ge [sflag:s13], $0x2000  }
0x2bc: {  	[sflag:s13] =	ssyncset.done $0x0  }
0x2bd: {  	[sflag:s13] =	ssyncadd.s32 $0xFFFFE000  }
0x2be: {  	_ =	sfence.sel $0x180000  }
0x2bf: {  	[bflag:$0x0] =	sbarrier.arrive $0xFFFF  }
0x2c0: {  	_ =	strace $0x90000047  }
0x2c1: {  	s0 =	stileid.u32;
	[bflag:$0x2] =	sbarrier.arrive $0xFFFF  }
0x2c2: {  	p0 =	sne.s32 s0, $0x0;
	s0 =	rddreg [dreg:$0x3]  }
0x2c3: {  	s0 =	sadd.s32 @!p0 $0x100000, s0  }
0x2c4: {  	[sflag:s0] =	ssyncadd.tile.s32 @!p0 $0x1;
	_ =	shalt  }
.Lfunc_end2:
_tile_overlayer_lowered:
.L_overlay_start_2:
0x2c5: {  	(tag) =	ssettag $0x2  }
0x2c6: {  	s0 =	rddreg [dreg:$0x0];
	s2 =	stileid.u32  }
0x2c7: {  	s1 =	rddreg [dreg:$0x1];
	p0 =	sne.s32 s2, $0x0  }
0x2c8: {  	s3 =	rddreg [dreg:$0x2];
	[bflag:$0x3] =	sbarrier.arrive $0xFFFF;
	s2 =	simm.s32 @!p0 $0x1C04  }
0x2c9: {  	[timem:s3], [sflag:s2] =	dma.local @!p0 [hbm:s0], s1  }
0x2ca: {  	s0 =	simm.s32 @!p0 $0x4  }
0x2cb: {  	_ =	swait.ge @!p0 [sflag:s0], s1  }
0x2cc: {  	s1 =	ssub.s32 @!p0 $0x0, s1;
	[sflag:s0] =	ssyncset.done @!p0 $0x0  }
0x2cd: {  	[sflag:s0] =	ssyncadd.s32 @!p0 s1  }
0x2ce: {  	[bflag:$0x3] =	sbarrier.arrive $0xFFFF  }
0x2cf: {  	_ =	shalt  }

</sc_bundles>
